<compile_context>
chip_gen: v7x
topology: tpu7x:2x2x1
jax: 0.10.2.dev20260603
libtpu: 0.0.44.dev20260713+nightly
codegen_flags: <defaults>
</compile_context>

<pallas_src>
import jax
import jax.numpy as jnp
from jax import lax
from jax.experimental import pallas as pl
from jax.experimental.pallas import tpu as pltpu
from jax.experimental.pallas import tpu_sc as plsc

B = 16384
D = 512
SEG = 64
NSEG = 8
V = 100000

NC = 2
NS = 16
NW = NC * NS
L = 16

B_PER_W = B // NW
CHUNK = 64
N_CHUNKS = B_PER_W // CHUNK
N_PAIRS = N_CHUNKS // 2
NEWTON_ITERS = 1


def _rsqrt(v):
    i = plsc.bitcast(v, jnp.int32)
    i = jnp.int32(0x5F3759DF) - lax.shift_right_logical(i, 1)
    y = plsc.bitcast(i, jnp.float32)
    half = v * jnp.float32(0.5)
    for _ in range(NEWTON_ITERS):
        y = y * (jnp.float32(1.5) - half * y * y)
    return y


def _body(idx_hbm, table_hbm, gamma_hbm, beta_hbm, out_hbm,
          idx_v, buf0, buf1, gamma_v, beta_v,
          in0, in1, out0, out1):
    wid = lax.axis_index("c") * NS + lax.axis_index("s")
    base = wid * B_PER_W

    pltpu.sync_copy(idx_hbm.at[pl.ds(base, B_PER_W)], idx_v)
    pltpu.sync_copy(gamma_hbm, gamma_v)
    pltpu.sync_copy(beta_hbm, beta_v)

    gv = [gamma_v[pl.ds(16 * k, 16)] for k in range(4)]
    bv = [beta_v[pl.ds(16 * k, 16)] for k in range(4)]
    inv_seg = jnp.float32(1.0 / SEG)
    eps = jnp.float32(1e-5)

    def start_gather(c, buf, sem):
        pltpu.make_async_copy(
            table_hbm.at[idx_v.at[pl.ds(c * CHUNK, CHUNK)]], buf, sem
        ).start()

    def wait_gather(c, buf, sem):
        pltpu.make_async_copy(
            table_hbm.at[idx_v.at[pl.ds(c * CHUNK, CHUNK)]], buf, sem
        ).wait()

    def start_out(c, buf, sem):
        pltpu.make_async_copy(
            buf, out_hbm.at[pl.ds(base + c * CHUNK, CHUNK)], sem
        ).start()

    def wait_out(c, buf, sem):
        pltpu.make_async_copy(
            buf, out_hbm.at[pl.ds(base + c * CHUNK, CHUNK)], sem
        ).wait()

    def layernorm_chunk(buf):
        def row_step(r, _):
            for s in range(NSEG):
                xs = [buf[r, pl.ds(s * SEG + 16 * k, 16)] for k in range(4)]
                ssum = jnp.sum(xs[0] + xs[1] + xs[2] + xs[3])
                qsum = jnp.sum(xs[0] * xs[0] + xs[1] * xs[1]
                               + xs[2] * xs[2] + xs[3] * xs[3])
                mean_s = ssum * inv_seg
                var_s = qsum * inv_seg - mean_s * mean_s
                mean = jnp.full((L,), mean_s)
                rstd = _rsqrt(jnp.full((L,), var_s + eps))
                for k in range(4):
                    buf[r, pl.ds(s * SEG + 16 * k, 16)] = (
                        (xs[k] - mean) * rstd * gv[k] + bv[k])
            return 0

        lax.fori_loop(0, CHUNK, row_step, 0)

    start_gather(0, buf0, in0)

    def pair_step(t, _):
        c0 = 2 * t
        c1 = c0 + 1

        @pl.when(t > 0)
        def _():
            wait_out(c0 - 1, buf1, out1)

        start_gather(c1, buf1, in1)
        wait_gather(c0, buf0, in0)
        layernorm_chunk(buf0)
        start_out(c0, buf0, out0)

        wait_gather(c1, buf1, in1)
        layernorm_chunk(buf1)
        start_out(c1, buf1, out1)

        @pl.when(t < N_PAIRS - 1)
        def _():
            wait_out(c0, buf0, out0)
            start_gather(c0 + 2, buf0, in0)

        return 0

    lax.fori_loop(0, N_PAIRS, pair_step, 0)
    wait_out(N_CHUNKS - 2, buf0, out0)
    wait_out(N_CHUNKS - 1, buf1, out1)


@jax.jit
def _encode(prompt_idx, table, gamma, beta):
    mesh = plsc.VectorSubcoreMesh(core_axis_name="c", subcore_axis_name="s")
    run = pl.kernel(
        _body,
        out_type=jax.ShapeDtypeStruct((B, D), jnp.float32),
        mesh=mesh,
        compiler_params=pltpu.CompilerParams(needs_layout_passes=False),
        scratch_types=[
            pltpu.VMEM((B_PER_W,), jnp.int32),
            pltpu.VMEM((CHUNK, D), jnp.float32),
            pltpu.VMEM((CHUNK, D), jnp.float32),
            pltpu.VMEM((SEG,), jnp.float32),
            pltpu.VMEM((SEG,), jnp.float32),
            pltpu.SemaphoreType.DMA,
            pltpu.SemaphoreType.DMA,
            pltpu.SemaphoreType.DMA,
            pltpu.SemaphoreType.DMA,
        ],
    )
    return run(prompt_idx, table, gamma, beta)


def kernel(prompt_idx, table, gamma, beta):
    out = _encode(prompt_idx, table, gamma, beta)
    return out.reshape(B, NSEG, SEG)

# --- scband reference (transcript-rebuilt; emitter-appended) ---
"""Pipeline reference for scband-simple-text-encoder-33517924778169 (READ-ONLY COPY).

The authoritative reference and input builder live on the scoring server;
editing this copy changes nothing except your own understanding.
"""

import jax, jax.numpy as jnp
import numpy as np

NUM_PROMPTS = 100000
TEXT_DIM = 64
SEQ_LEN = 8
BATCH = 16384

def setup_inputs(seed: int = 0) -> dict:
    key = jax.random.key(seed)
    k1, k2, k3 = jax.random.split(key, 3)
    prompt_idx = jax.random.randint(k1, (BATCH,), 0, NUM_PROMPTS, dtype=jnp.int64) if jax.config.jax_enable_x64 else jax.random.randint(k1, (BATCH,), 0, NUM_PROMPTS, dtype=jnp.int32)
    table = jax.random.normal(k2, (NUM_PROMPTS, TEXT_DIM * SEQ_LEN), dtype=jnp.float32)
    gamma = jnp.ones((TEXT_DIM,), dtype=jnp.float32)
    beta = jnp.zeros((TEXT_DIM,), dtype=jnp.float32)
    return {"prompt_idx": prompt_idx, "table": table, "gamma": gamma, "beta": beta}

def reference(prompt_idx, table, gamma, beta):
    # embedding lookup (gather)
    x = jnp.take(table, prompt_idx, axis=0)  # [B, text_dim*seq_len]
    x = x.reshape(-1, SEQ_LEN, TEXT_DIM)     # [B, seq_len, text_dim]
    # LayerNorm over last dim (eps=1e-5, affine)
    mean = jnp.mean(x, axis=-1, keepdims=True)
    var = jnp.mean(jnp.square(x - mean), axis=-1, keepdims=True)
    xn = (x - mean) / jnp.sqrt(var + 1e-5)
    return xn * gamma + beta

if __name__ == "__main__":
    import jax
    _d = setup_inputs()
    print(jax.jit(kernel)(*tuple(_d.values())))

</pallas_src>

<mosaic_0001>
#map = affine_map<(d0, d1) -> (0)>
#map1 = affine_map<(d0, d1) -> (0, 0)>
module attributes {stable_mosaic.version = 14 : i64} {
  func.func @_body(%arg0: i32, %arg1: i32, %arg2: memref<16384xi32, #tpu.memory_space<hbm>>, %arg3: memref<100000x512xf32, #tpu.memory_space<hbm>>, %arg4: memref<64xf32, #tpu.memory_space<hbm>>, %arg5: memref<64xf32, #tpu.memory_space<hbm>>, %arg6: memref<16384x512xf32, #tpu.memory_space<hbm>>, %arg7: memref<512xi32, #tpu.memory_space<vmem>>, %arg8: memref<64x512xf32, #tpu.memory_space<vmem>>, %arg9: memref<64x512xf32, #tpu.memory_space<vmem>>, %arg10: memref<64xf32, #tpu.memory_space<vmem>>, %arg11: memref<64xf32, #tpu.memory_space<vmem>>, %arg12: memref<!tpu.dma_semaphore, #tpu.memory_space<semaphore_mem>>, %arg13: memref<!tpu.dma_semaphore, #tpu.memory_space<semaphore_mem>>, %arg14: memref<!tpu.dma_semaphore, #tpu.memory_space<semaphore_mem>>, %arg15: memref<!tpu.dma_semaphore, #tpu.memory_space<semaphore_mem>>) attributes {dimension_semantics = [#tpu.dimension_semantics<core_parallel>, #tpu.dimension_semantics<subcore_parallel>], iteration_bounds = array<i64: 2, 16>, scalar_prefetch = 0 : i64, scratch_operands = 9 : i64, tpu.core_type = #tpu.core_type<sc_vector_subcore>, window_params = [{transform_indices = #map}, {transform_indices = #map1}, {transform_indices = #map}, {transform_indices = #map}, {transform_indices = #map1}]} {
    %mul3A = arith.constant 16 : i32
    %mul3A_0 = arith.muli %arg0, %mul3A : i32
    %add3A = arith.addi %mul3A_0, %arg1 : i32
    %mul3A_1 = arith.constant 512 : i32
    %mul3A_2 = arith.muli %add3A, %mul3A_1 : i32
    "tpu.region"() ({
      %run_scoped3A = tpu.sem_alloc : memref<!tpu.dma_semaphore, #tpu.memory_space<semaphore_mem>>
      %dma_start3A_41 = tpu.memref_slice %arg2[%mul3A_2] : memref<16384xi32, #tpu.memory_space<hbm>> -> memref<512xi32, #tpu.memory_space<hbm>>
      %dma_start3A_42 = tpu.memref_slice %arg2[%mul3A_2] : memref<16384xi32, #tpu.memory_space<hbm>> -> memref<512xi32, #tpu.memory_space<hbm>>
      tpu.enqueue_dma source(%dma_start3A_42 : memref<512xi32, #tpu.memory_space<hbm>>) target(%arg7 : memref<512xi32, #tpu.memory_space<vmem>>) target_semaphore(%run_scoped3A : memref<!tpu.dma_semaphore, #tpu.memory_space<semaphore_mem>>)
      %dma_wait3A_43 = tpu.memref_slice %arg2[%mul3A_2] : memref<16384xi32, #tpu.memory_space<hbm>> -> memref<512xi32, #tpu.memory_space<hbm>>
      %dma_wait3A_44 = tpu.memref_slice %arg2[%mul3A_2] : memref<16384xi32, #tpu.memory_space<hbm>> -> memref<512xi32, #tpu.memory_space<hbm>>
      tpu.wait_dma2 semaphore(%run_scoped3A : memref<!tpu.dma_semaphore, #tpu.memory_space<semaphore_mem>>) src(%dma_wait3A_44 : memref<512xi32, #tpu.memory_space<hbm>>) dst(%arg7 : memref<512xi32, #tpu.memory_space<vmem>>)
      tpu.yield
    }) : () -> ()
    "tpu.region"() ({
      %run_scoped3A = tpu.sem_alloc : memref<!tpu.dma_semaphore, #tpu.memory_space<semaphore_mem>>
      tpu.enqueue_dma source(%arg4 : memref<64xf32, #tpu.memory_space<hbm>>) target(%arg10 : memref<64xf32, #tpu.memory_space<vmem>>) target_semaphore(%run_scoped3A : memref<!tpu.dma_semaphore, #tpu.memory_space<semaphore_mem>>)
      tpu.wait_dma2 semaphore(%run_scoped3A : memref<!tpu.dma_semaphore, #tpu.memory_space<semaphore_mem>>) src(%arg4 : memref<64xf32, #tpu.memory_space<hbm>>) dst(%arg10 : memref<64xf32, #tpu.memory_space<vmem>>)
      tpu.yield
    }) : () -> ()
    "tpu.region"() ({
      %run_scoped3A = tpu.sem_alloc : memref<!tpu.dma_semaphore, #tpu.memory_space<semaphore_mem>>
      tpu.enqueue_dma source(%arg5 : memref<64xf32, #tpu.memory_space<hbm>>) target(%arg11 : memref<64xf32, #tpu.memory_space<vmem>>) target_semaphore(%run_scoped3A : memref<!tpu.dma_semaphore, #tpu.memory_space<semaphore_mem>>)
      tpu.wait_dma2 semaphore(%run_scoped3A : memref<!tpu.dma_semaphore, #tpu.memory_space<semaphore_mem>>) src(%arg5 : memref<64xf32, #tpu.memory_space<hbm>>) dst(%arg11 : memref<64xf32, #tpu.memory_space<vmem>>)
      tpu.yield
    }) : () -> ()
    %get3A = arith.constant 0 : index
    %get3A_3 = tpu.vector_load %arg10[%get3A] {strides = array<i32>} : memref<64xf32, #tpu.memory_space<vmem>>, vector<16xf32>,
    %get3A_4 = arith.constant 16 : index
    %get3A_5 = tpu.vector_load %arg10[%get3A_4] {strides = array<i32>} : memref<64xf32, #tpu.memory_space<vmem>>, vector<16xf32>,
    %get3A_6 = arith.constant 32 : index
    %get3A_7 = tpu.vector_load %arg10[%get3A_6] {strides = array<i32>} : memref<64xf32, #tpu.memory_space<vmem>>, vector<16xf32>,
    %get3A_8 = arith.constant 48 : index
    %get3A_9 = tpu.vector_load %arg10[%get3A_8] {strides = array<i32>} : memref<64xf32, #tpu.memory_space<vmem>>, vector<16xf32>,
    %get3A_10 = arith.constant 0 : index
    %get3A_11 = tpu.vector_load %arg11[%get3A_10] {strides = array<i32>} : memref<64xf32, #tpu.memory_space<vmem>>, vector<16xf32>,
    %get3A_12 = arith.constant 16 : index
    %get3A_13 = tpu.vector_load %arg11[%get3A_12] {strides = array<i32>} : memref<64xf32, #tpu.memory_space<vmem>>, vector<16xf32>,
    %get3A_14 = arith.constant 32 : index
    %get3A_15 = tpu.vector_load %arg11[%get3A_14] {strides = array<i32>} : memref<64xf32, #tpu.memory_space<vmem>>, vector<16xf32>,
    %get3A_16 = arith.constant 48 : index
    %get3A_17 = tpu.vector_load %arg11[%get3A_16] {strides = array<i32>} : memref<64xf32, #tpu.memory_space<vmem>>, vector<16xf32>,
    %dma_start3A = arith.constant 0 : i32
    %dma_start3A_18 = tpu.memref_slice %arg7[%dma_start3A] : memref<512xi32, #tpu.memory_space<vmem>> -> memref<64xi32, #tpu.memory_space<vmem>>
    %dma_start3A_19 = arith.constant 0 : i32
    %dma_start3A_20 = arith.constant 0 : i32
    %dma_start3A_21 = tpu.memref_slice %arg3[%dma_start3A_19, %dma_start3A_20] : memref<100000x512xf32, #tpu.memory_space<hbm>> -> memref<100000x512xf32, #tpu.memory_space<hbm>>
    tpu.enqueue_indirect_dma source(%dma_start3A_21 : memref<100000x512xf32, #tpu.memory_space<hbm>>) target(%arg8 : memref<64x512xf32, #tpu.memory_space<vmem>>) offsets(%dma_start3A_18 : memref<64xi32, #tpu.memory_space<vmem>>) semaphore(%arg12 : memref<!tpu.dma_semaphore, #tpu.memory_space<semaphore_mem>>)
    %scan3A = arith.constant 1.562500e-02 : f32
    %scan3A_22 = arith.constant 9.99999974E-6 : f32
    %scan3A_23 = arith.constant 0 : i32
    %scan3A_24 = arith.constant 0 : i32
    %scan3A_25 = arith.constant 4 : i32
    %scan3A_26 = arith.addi %scan3A_24, %scan3A_25 : i32
    %scan3A_27 = arith.constant 1 : i32
    %scan3A_28 = scf.for %scan3A_41 = %scan3A_24 to %scan3A_26 step %scan3A_27 iter_args(%scan3A_42 = %scan3A_23) -> (i32)  : i32 {
      %mul3A_43 = arith.constant 2 : i32
      %mul3A_44 = arith.muli %mul3A_43, %scan3A_41 : i32
      %add3A_45 = arith.constant 1 : i32
      %add3A_46 = arith.addi %mul3A_44, %add3A_45 : i32
      %gt3A = arith.constant 0 : i32
      %gt3A_47 = arith.cmpi sgt, %scan3A_41, %gt3A : i32
      %convert_element_type3A = arith.extui %gt3A_47 : i1 to i32
      %cond3A = arith.constant 0 : i32
      %cond3A_48 = arith.cmpi ne, %convert_element_type3A, %cond3A : i32
      scf.if %cond3A_48 {
        %sub3A = arith.constant 1 : i32
        %sub3A_100 = arith.subi %mul3A_44, %sub3A : i32
        %mul3A_101 = arith.constant 64 : i32
        %mul3A_102 = arith.muli %sub3A_100, %mul3A_101 : i32
        %add3A_103 = arith.addi %mul3A_2, %mul3A_102 : i32
        %dma_wait3A_104 = arith.constant 0 : i32
        %dma_wait3A_105 = tpu.memref_slice %arg6[%add3A_103, %dma_wait3A_104] : memref<16384x512xf32, #tpu.memory_space<hbm>> -> memref<64x512xf32, #tpu.memory_space<hbm>>
        %dma_wait3A_106 = arith.constant 0 : i32
        %dma_wait3A_107 = tpu.memref_slice %arg6[%add3A_103, %dma_wait3A_106] : memref<16384x512xf32, #tpu.memory_space<hbm>> -> memref<64x512xf32, #tpu.memory_space<hbm>>
        tpu.wait_dma2 semaphore(%arg15 : memref<!tpu.dma_semaphore, #tpu.memory_space<semaphore_mem>>) src(%arg9 : memref<64x512xf32, #tpu.memory_space<vmem>>) dst(%dma_wait3A_107 : memref<64x512xf32, #tpu.memory_space<hbm>>)
      } else {
      }
      %mul3A_49 = arith.constant 64 : i32
      %mul3A_50 = arith.muli %add3A_46, %mul3A_49 : i32
      %dma_start3A_51 = tpu.memref_slice %arg7[%mul3A_50] : memref<512xi32, #tpu.memory_space<vmem>> -> memref<64xi32, #tpu.memory_space<vmem>>
      %dma_start3A_52 = arith.constant 0 : i32
      %dma_start3A_53 = arith.constant 0 : i32
      %dma_start3A_54 = tpu.memref_slice %arg3[%dma_start3A_52, %dma_start3A_53] : memref<100000x512xf32, #tpu.memory_space<hbm>> -> memref<100000x512xf32, #tpu.memory_space<hbm>>
      tpu.enqueue_indirect_dma source(%dma_start3A_54 : memref<100000x512xf32, #tpu.memory_space<hbm>>) target(%arg9 : memref<64x512xf32, #tpu.memory_space<vmem>>) offsets(%dma_start3A_51 : memref<64xi32, #tpu.memory_space<vmem>>) semaphore(%arg13 : memref<!tpu.dma_semaphore, #tpu.memory_space<semaphore_mem>>)
      %mul3A_55 = arith.constant 64 : i32
      %mul3A_56 = arith.muli %mul3A_44, %mul3A_55 : i32
      %dma_wait3A_57 = tpu.memref_slice %arg7[%mul3A_56] : memref<512xi32, #tpu.memory_space<vmem>> -> memref<64xi32, #tpu.memory_space<vmem>>
      %dma_wait3A_58 = arith.constant 0 : i32
      %dma_wait3A_59 = arith.constant 0 : i32
      %dma_wait3A_60 = tpu.memref_slice %arg3[%dma_wait3A_58, %dma_wait3A_59] : memref<100000x512xf32, #tpu.memory_space<hbm>> -> memref<100000x512xf32, #tpu.memory_space<hbm>>
      tpu.wait_indirect_dma semaphore(%arg12 : memref<!tpu.dma_semaphore, #tpu.memory_space<semaphore_mem>>) src(%dma_wait3A_60 : memref<100000x512xf32, #tpu.memory_space<hbm>>) dst(%arg8 : memref<64x512xf32, #tpu.memory_space<vmem>>)
      %scan3A_61 = arith.constant 0 : i32
      %scan3A_62 = arith.constant 0 : i32
      %scan3A_63 = arith.constant 64 : i32
      %scan3A_64 = arith.addi %scan3A_62, %scan3A_63 : i32
      %scan3A_65 = arith.constant 1 : i32
      %scan3A_66 = scf.for %scan3A_100 = %scan3A_62 to %scan3A_64 step %scan3A_65 iter_args(%scan3A_101 = %scan3A_61) -> (i32)  : i32 {
        %get3A_102 = arith.index_cast %scan3A_100 : i32 to index
        %get3A_103 = arith.constant 0 : index
        %get3A_104 = tpu.vector_load %arg8[%get3A_102, %get3A_103] {strides = array<i32>} : memref<64x512xf32, #tpu.memory_space<vmem>>, vector<16xf32>,
        %get3A_105 = arith.index_cast %scan3A_100 : i32 to index
        %get3A_106 = arith.constant 16 : index
        %get3A_107 = tpu.vector_load %arg8[%get3A_105, %get3A_106] {strides = array<i32>} : memref<64x512xf32, #tpu.memory_space<vmem>>, vector<16xf32>,
        %get3A_108 = arith.index_cast %scan3A_100 : i32 to index
        %get3A_109 = arith.constant 32 : index
        %get3A_110 = tpu.vector_load %arg8[%get3A_108, %get3A_109] {strides = array<i32>} : memref<64x512xf32, #tpu.memory_space<vmem>>, vector<16xf32>,
        %get3A_111 = arith.index_cast %scan3A_100 : i32 to index
        %get3A_112 = arith.constant 48 : index
        %get3A_113 = tpu.vector_load %arg8[%get3A_111, %get3A_112] {strides = array<i32>} : memref<64x512xf32, #tpu.memory_space<vmem>>, vector<16xf32>,
        %add3A_114 = arith.addf %get3A_104, %get3A_107 : vector<16xf32>
        %add3A_115 = arith.addf %add3A_114, %get3A_110 : vector<16xf32>
        %add3A_116 = arith.addf %add3A_115, %get3A_113 : vector<16xf32>
        %reduce_sum3A = arith.constant true
        %reduce_sum3A_117 = vector.broadcast %reduce_sum3A : i1 to vector<16xi1>
        %reduce_sum3A_118 = tpu.scan <sum>, %add3A_116 masked %reduce_sum3A_117 : vector<16xf32>, vector<16xi1> -> vector<16xf32>
        %reduce_sum3A_119 = vector.extract %reduce_sum3A_118[15] : f32 from vector<16xf32>
        %mul3A_120 = arith.mulf %get3A_104, %get3A_104 : vector<16xf32>
        %mul3A_121 = arith.mulf %get3A_107, %get3A_107 : vector<16xf32>
        %add3A_122 = arith.addf %mul3A_120, %mul3A_121 : vector<16xf32>
        %mul3A_123 = arith.mulf %get3A_110, %get3A_110 : vector<16xf32>
        %add3A_124 = arith.addf %add3A_122, %mul3A_123 : vector<16xf32>
        %mul3A_125 = arith.mulf %get3A_113, %get3A_113 : vector<16xf32>
        %add3A_126 = arith.addf %add3A_124, %mul3A_125 : vector<16xf32>
        %reduce_sum3A_127 = arith.constant true
        %reduce_sum3A_128 = vector.broadcast %reduce_sum3A_127 : i1 to vector<16xi1>
        %reduce_sum3A_129 = tpu.scan <sum>, %add3A_126 masked %reduce_sum3A_128 : vector<16xf32>, vector<16xi1> -> vector<16xf32>
        %reduce_sum3A_130 = vector.extract %reduce_sum3A_129[15] : f32 from vector<16xf32>
        %mul3A_131 = arith.mulf %reduce_sum3A_119, %scan3A : f32
        %mul3A_132 = arith.mulf %reduce_sum3A_130, %scan3A : f32
        %mul3A_133 = arith.mulf %mul3A_131, %mul3A_131 : f32
        %sub3A = arith.subf %mul3A_132, %mul3A_133 : f32
        %broadcast_in_dim3A = vector.broadcast %mul3A_131 : f32 to vector<16xf32>
        %add3A_134 = arith.addf %sub3A, %scan3A_22 : f32
        %broadcast_in_dim3A_135 = vector.broadcast %add3A_134 : f32 to vector<16xf32>
        %bitcast3A = vector.bitcast %broadcast_in_dim3A_135 : vector<16xf32> to vector<16xi32>
        %shift_right_logical3A = arith.constant 1 : i32
        %shift_right_logical3A_136 = vector.broadcast %shift_right_logical3A : i32 to vector<16xi32>
        %shift_right_logical3A_137 = arith.shrui %bitcast3A, %shift_right_logical3A_136 : vector<16xi32>
        %sub3A_138 = arith.constant 1597463007 : i32
        %sub3A_139 = vector.broadcast %sub3A_138 : i32 to vector<16xi32>
        %sub3A_140 = arith.subi %sub3A_139, %shift_right_logical3A_137 : vector<16xi32>
        %bitcast3A_141 = vector.bitcast %sub3A_140 : vector<16xi32> to vector<16xf32>
        %mul3A_142 = arith.constant 5.000000e-01 : f32
        %mul3A_143 = vector.broadcast %mul3A_142 : f32 to vector<16xf32>
        %mul3A_144 = arith.mulf %broadcast_in_dim3A_135, %mul3A_143 : vector<16xf32>
        %mul3A_145 = arith.mulf %mul3A_144, %bitcast3A_141 : vector<16xf32>
        %mul3A_146 = arith.mulf %mul3A_145, %bitcast3A_141 : vector<16xf32>
        %sub3A_147 = arith.constant 1.500000e+00 : f32
        %sub3A_148 = vector.broadcast %sub3A_147 : f32 to vector<16xf32>
        %sub3A_149 = arith.subf %sub3A_148, %mul3A_146 : vector<16xf32>
        %mul3A_150 = arith.mulf %bitcast3A_141, %sub3A_149 : vector<16xf32>
        %sub3A_151 = arith.subf %get3A_104, %broadcast_in_dim3A : vector<16xf32>
        %mul3A_152 = arith.mulf %sub3A_151, %mul3A_150 : vector<16xf32>
        %mul3A_153 = arith.mulf %mul3A_152, %get3A_3 : vector<16xf32>
        %add3A_154 = arith.addf %mul3A_153, %get3A_11 : vector<16xf32>
        %swap3A = arith.index_cast %scan3A_100 : i32 to index
        %swap3A_155 = arith.constant 0 : index
        %swap3A_156 = tpu.vector_load %arg8[%swap3A, %swap3A_155] {strides = array<i32>} : memref<64x512xf32, #tpu.memory_space<vmem>>, vector<16xf32>,
        tpu.vector_store %arg8[%swap3A, %swap3A_155], %add3A_154 {strides = array<i32>} : memref<64x512xf32, #tpu.memory_space<vmem>>, vector<16xf32>,
        %sub3A_157 = arith.subf %get3A_107, %broadcast_in_dim3A : vector<16xf32>
        %mul3A_158 = arith.mulf %sub3A_157, %mul3A_150 : vector<16xf32>
        %mul3A_159 = arith.mulf %mul3A_158, %get3A_5 : vector<16xf32>
        %add3A_160 = arith.addf %mul3A_159, %get3A_13 : vector<16xf32>
        %swap3A_161 = arith.index_cast %scan3A_100 : i32 to index
        %swap3A_162 = arith.constant 16 : index
        %swap3A_163 = tpu.vector_load %arg8[%swap3A_161, %swap3A_162] {strides = array<i32>} : memref<64x512xf32, #tpu.memory_space<vmem>>, vector<16xf32>,
        tpu.vector_store %arg8[%swap3A_161, %swap3A_162], %add3A_160 {strides = array<i32>} : memref<64x512xf32, #tpu.memory_space<vmem>>, vector<16xf32>,
        %sub3A_164 = arith.subf %get3A_110, %broadcast_in_dim3A : vector<16xf32>
        %mul3A_165 = arith.mulf %sub3A_164, %mul3A_150 : vector<16xf32>
        %mul3A_166 = arith.mulf %mul3A_165, %get3A_7 : vector<16xf32>
        %add3A_167 = arith.addf %mul3A_166, %get3A_15 : vector<16xf32>
        %swap3A_168 = arith.index_cast %scan3A_100 : i32 to index
        %swap3A_169 = arith.constant 32 : index
        %swap3A_170 = tpu.vector_load %arg8[%swap3A_168, %swap3A_169] {strides = array<i32>} : memref<64x512xf32, #tpu.memory_space<vmem>>, vector<16xf32>,
        tpu.vector_store %arg8[%swap3A_168, %swap3A_169], %add3A_167 {strides = array<i32>} : memref<64x512xf32, #tpu.memory_space<vmem>>, vector<16xf32>,
        %sub3A_171 = arith.subf %get3A_113, %broadcast_in_dim3A : vector<16xf32>
        %mul3A_172 = arith.mulf %sub3A_171, %mul3A_150 : vector<16xf32>
        %mul3A_173 = arith.mulf %mul3A_172, %get3A_9 : vector<16xf32>
        %add3A_174 = arith.addf %mul3A_173, %get3A_17 : vector<16xf32>
        %swap3A_175 = arith.index_cast %scan3A_100 : i32 to index
        %swap3A_176 = arith.constant 48 : index
        %swap3A_177 = tpu.vector_load %arg8[%swap3A_175, %swap3A_176] {strides = array<i32>} : memref<64x512xf32, #tpu.memory_space<vmem>>, vector<16xf32>,
        tpu.vector_store %arg8[%swap3A_175, %swap3A_176], %add3A_174 {strides = array<i32>} : memref<64x512xf32, #tpu.memory_space<vmem>>, vector<16xf32>,
        %get3A_178 = arith.index_cast %scan3A_100 : i32 to index
        %get3A_179 = arith.constant 64 : index
        %get3A_180 = tpu.vector_load %arg8[%get3A_178, %get3A_179] {strides = array<i32>} : memref<64x512xf32, #tpu.memory_space<vmem>>, vector<16xf32>,
        %get3A_181 = arith.index_cast %scan3A_100 : i32 to index
        %get3A_182 = arith.constant 80 : index
        %get3A_183 = tpu.vector_load %arg8[%get3A_181, %get3A_182] {strides = array<i32>} : memref<64x512xf32, #tpu.memory_space<vmem>>, vector<16xf32>,
        %get3A_184 = arith.index_cast %scan3A_100 : i32 to index
        %get3A_185 = arith.constant 96 : index
        %get3A_186 = tpu.vector_load %arg8[%get3A_184, %get3A_185] {strides = array<i32>} : memref<64x512xf32, #tpu.memory_space<vmem>>, vector<16xf32>,
        %get3A_187 = arith.index_cast %scan3A_100 : i32 to index
        %get3A_188 = arith.constant 112 : index
        %get3A_189 = tpu.vector_load %arg8[%get3A_187, %get3A_188] {strides = array<i32>} : memref<64x512xf32, #tpu.memory_space<vmem>>, vector<16xf32>,
        %add3A_190 = arith.addf %get3A_180, %get3A_183 : vector<16xf32>
        %add3A_191 = arith.addf %add3A_190, %get3A_186 : vector<16xf32>
        %add3A_192 = arith.addf %add3A_191, %get3A_189 : vector<16xf32>
        %reduce_sum3A_193 = arith.constant true
        %reduce_sum3A_194 = vector.broadcast %reduce_sum3A_193 : i1 to vector<16xi1>
        %reduce_sum3A_195 = tpu.scan <sum>, %add3A_192 masked %reduce_sum3A_194 : vector<16xf32>, vector<16xi1> -> vector<16xf32>
        %reduce_sum3A_196 = vector.extract %reduce_sum3A_195[15] : f32 from vector<16xf32>
        %mul3A_197 = arith.mulf %get3A_180, %get3A_180 : vector<16xf32>
        %mul3A_198 = arith.mulf %get3A_183, %get3A_183 : vector<16xf32>
        %add3A_199 = arith.addf %mul3A_197, %mul3A_198 : vector<16xf32>
        %mul3A_200 = arith.mulf %get3A_186, %get3A_186 : vector<16xf32>
        %add3A_201 = arith.addf %add3A_199, %mul3A_200 : vector<16xf32>
        %mul3A_202 = arith.mulf %get3A_189, %get3A_189 : vector<16xf32>
        %add3A_203 = arith.addf %add3A_201, %mul3A_202 : vector<16xf32>
        %reduce_sum3A_204 = arith.constant true
        %reduce_sum3A_205 = vector.broadcast %reduce_sum3A_204 : i1 to vector<16xi1>
        %reduce_sum3A_206 = tpu.scan <sum>, %add3A_203 masked %reduce_sum3A_205 : vector<16xf32>, vector<16xi1> -> vector<16xf32>
        %reduce_sum3A_207 = vector.extract %reduce_sum3A_206[15] : f32 from vector<16xf32>
        %mul3A_208 = arith.mulf %reduce_sum3A_196, %scan3A : f32
        %mul3A_209 = arith.mulf %reduce_sum3A_207, %scan3A : f32
        %mul3A_210 = arith.mulf %mul3A_208, %mul3A_208 : f32
        %sub3A_211 = arith.subf %mul3A_209, %mul3A_210 : f32
        %broadcast_in_dim3A_212 = vector.broadcast %mul3A_208 : f32 to vector<16xf32>
        %add3A_213 = arith.addf %sub3A_211, %scan3A_22 : f32
        %broadcast_in_dim3A_214 = vector.broadcast %add3A_213 : f32 to vector<16xf32>
        %bitcast3A_215 = vector.bitcast %broadcast_in_dim3A_214 : vector<16xf32> to vector<16xi32>
        %shift_right_logical3A_216 = arith.constant 1 : i32
        %shift_right_logical3A_217 = vector.broadcast %shift_right_logical3A_216 : i32 to vector<16xi32>
        %shift_right_logical3A_218 = arith.shrui %bitcast3A_215, %shift_right_logical3A_217 : vector<16xi32>
        %sub3A_219 = arith.constant 1597463007 : i32
        %sub3A_220 = vector.broadcast %sub3A_219 : i32 to vector<16xi32>
        %sub3A_221 = arith.subi %sub3A_220, %shift_right_logical3A_218 : vector<16xi32>
        %bitcast3A_222 = vector.bitcast %sub3A_221 : vector<16xi32> to vector<16xf32>
        %mul3A_223 = arith.constant 5.000000e-01 : f32
        %mul3A_224 = vector.broadcast %mul3A_223 : f32 to vector<16xf32>
        %mul3A_225 = arith.mulf %broadcast_in_dim3A_214, %mul3A_224 : vector<16xf32>
        %mul3A_226 = arith.mulf %mul3A_225, %bitcast3A_222 : vector<16xf32>
        %mul3A_227 = arith.mulf %mul3A_226, %bitcast3A_222 : vector<16xf32>
        %sub3A_228 = arith.constant 1.500000e+00 : f32
        %sub3A_229 = vector.broadcast %sub3A_228 : f32 to vector<16xf32>
        %sub3A_230 = arith.subf %sub3A_229, %mul3A_227 : vector<16xf32>
        %mul3A_231 = arith.mulf %bitcast3A_222, %sub3A_230 : vector<16xf32>
        %sub3A_232 = arith.subf %get3A_180, %broadcast_in_dim3A_212 : vector<16xf32>
        %mul3A_233 = arith.mulf %sub3A_232, %mul3A_231 : vector<16xf32>
        %mul3A_234 = arith.mulf %mul3A_233, %get3A_3 : vector<16xf32>
        %add3A_235 = arith.addf %mul3A_234, %get3A_11 : vector<16xf32>
        %swap3A_236 = arith.index_cast %scan3A_100 : i32 to index
        %swap3A_237 = arith.constant 64 : index
        %swap3A_238 = tpu.vector_load %arg8[%swap3A_236, %swap3A_237] {strides = array<i32>} : memref<64x512xf32, #tpu.memory_space<vmem>>, vector<16xf32>,
        tpu.vector_store %arg8[%swap3A_236, %swap3A_237], %add3A_235 {strides = array<i32>} : memref<64x512xf32, #tpu.memory_space<vmem>>, vector<16xf32>,
        %sub3A_239 = arith.subf %get3A_183, %broadcast_in_dim3A_212 : vector<16xf32>
        %mul3A_240 = arith.mulf %sub3A_239, %mul3A_231 : vector<16xf32>
        %mul3A_241 = arith.mulf %mul3A_240, %get3A_5 : vector<16xf32>
        %add3A_242 = arith.addf %mul3A_241, %get3A_13 : vector<16xf32>
        %swap3A_243 = arith.index_cast %scan3A_100 : i32 to index
        %swap3A_244 = arith.constant 80 : index
        %swap3A_245 = tpu.vector_load %arg8[%swap3A_243, %swap3A_244] {strides = array<i32>} : memref<64x512xf32, #tpu.memory_space<vmem>>, vector<16xf32>,
        tpu.vector_store %arg8[%swap3A_243, %swap3A_244], %add3A_242 {strides = array<i32>} : memref<64x512xf32, #tpu.memory_space<vmem>>, vector<16xf32>,
        %sub3A_246 = arith.subf %get3A_186, %broadcast_in_dim3A_212 : vector<16xf32>
        %mul3A_247 = arith.mulf %sub3A_246, %mul3A_231 : vector<16xf32>
        %mul3A_248 = arith.mulf %mul3A_247, %get3A_7 : vector<16xf32>
        %add3A_249 = arith.addf %mul3A_248, %get3A_15 : vector<16xf32>
        %swap3A_250 = arith.index_cast %scan3A_100 : i32 to index
        %swap3A_251 = arith.constant 96 : index
        %swap3A_252 = tpu.vector_load %arg8[%swap3A_250, %swap3A_251] {strides = array<i32>} : memref<64x512xf32, #tpu.memory_space<vmem>>, vector<16xf32>,
        tpu.vector_store %arg8[%swap3A_250, %swap3A_251], %add3A_249 {strides = array<i32>} : memref<64x512xf32, #tpu.memory_space<vmem>>, vector<16xf32>,
        %sub3A_253 = arith.subf %get3A_189, %broadcast_in_dim3A_212 : vector<16xf32>
        %mul3A_254 = arith.mulf %sub3A_253, %mul3A_231 : vector<16xf32>
        %mul3A_255 = arith.mulf %mul3A_254, %get3A_9 : vector<16xf32>
        %add3A_256 = arith.addf %mul3A_255, %get3A_17 : vector<16xf32>
        %swap3A_257 = arith.index_cast %scan3A_100 : i32 to index
        %swap3A_258 = arith.constant 112 : index
        %swap3A_259 = tpu.vector_load %arg8[%swap3A_257, %swap3A_258] {strides = array<i32>} : memref<64x512xf32, #tpu.memory_space<vmem>>, vector<16xf32>,
        tpu.vector_store %arg8[%swap3A_257, %swap3A_258], %add3A_256 {strides = array<i32>} : memref<64x512xf32, #tpu.memory_space<vmem>>, vector<16xf32>,
        %get3A_260 = arith.index_cast %scan3A_100 : i32 to index
        %get3A_261 = arith.constant 128 : index
        %get3A_262 = tpu.vector_load %arg8[%get3A_260, %get3A_261] {strides = array<i32>} : memref<64x512xf32, #tpu.memory_space<vmem>>, vector<16xf32>,
        %get3A_263 = arith.index_cast %scan3A_100 : i32 to index
        %get3A_264 = arith.constant 144 : index
        %get3A_265 = tpu.vector_load %arg8[%get3A_263, %get3A_264] {strides = array<i32>} : memref<64x512xf32, #tpu.memory_space<vmem>>, vector<16xf32>,
        %get3A_266 = arith.index_cast %scan3A_100 : i32 to index
        %get3A_267 = arith.constant 160 : index
        %get3A_268 = tpu.vector_load %arg8[%get3A_266, %get3A_267] {strides = array<i32>} : memref<64x512xf32, #tpu.memory_space<vmem>>, vector<16xf32>,
        %get3A_269 = arith.index_cast %scan3A_100 : i32 to index
        %get3A_270 = arith.constant 176 : index
        %get3A_271 = tpu.vector_load %arg8[%get3A_269, %get3A_270] {strides = array<i32>} : memref<64x512xf32, #tpu.memory_space<vmem>>, vector<16xf32>,
        %add3A_272 = arith.addf %get3A_262, %get3A_265 : vector<16xf32>
        %add3A_273 = arith.addf %add3A_272, %get3A_268 : vector<16xf32>
        %add3A_274 = arith.addf %add3A_273, %get3A_271 : vector<16xf32>
        %reduce_sum3A_275 = arith.constant true
        %reduce_sum3A_276 = vector.broadcast %reduce_sum3A_275 : i1 to vector<16xi1>
        %reduce_sum3A_277 = tpu.scan <sum>, %add3A_274 masked %reduce_sum3A_276 : vector<16xf32>, vector<16xi1> -> vector<16xf32>
        %reduce_sum3A_278 = vector.extract %reduce_sum3A_277[15] : f32 from vector<16xf32>
        %mul3A_279 = arith.mulf %get3A_262, %get3A_262 : vector<16xf32>
        %mul3A_280 = arith.mulf %get3A_265, %get3A_265 : vector<16xf32>
        %add3A_281 = arith.addf %mul3A_279, %mul3A_280 : vector<16xf32>
        %mul3A_282 = arith.mulf %get3A_268, %get3A_268 : vector<16xf32>
        %add3A_283 = arith.addf %add3A_281, %mul3A_282 : vector<16xf32>
        %mul3A_284 = arith.mulf %get3A_271, %get3A_271 : vector<16xf32>
        %add3A_285 = arith.addf %add3A_283, %mul3A_284 : vector<16xf32>
        %reduce_sum3A_286 = arith.constant true
        %reduce_sum3A_287 = vector.broadcast %reduce_sum3A_286 : i1 to vector<16xi1>
        %reduce_sum3A_288 = tpu.scan <sum>, %add3A_285 masked %reduce_sum3A_287 : vector<16xf32>, vector<16xi1> -> vector<16xf32>
        %reduce_sum3A_289 = vector.extract %reduce_sum3A_288[15] : f32 from vector<16xf32>
        %mul3A_290 = arith.mulf %reduce_sum3A_278, %scan3A : f32
        %mul3A_291 = arith.mulf %reduce_sum3A_289, %scan3A : f32
        %mul3A_292 = arith.mulf %mul3A_290, %mul3A_290 : f32
        %sub3A_293 = arith.subf %mul3A_291, %mul3A_292 : f32
        %broadcast_in_dim3A_294 = vector.broadcast %mul3A_290 : f32 to vector<16xf32>
        %add3A_295 = arith.addf %sub3A_293, %scan3A_22 : f32
        %broadcast_in_dim3A_296 = vector.broadcast %add3A_295 : f32 to vector<16xf32>
        %bitcast3A_297 = vector.bitcast %broadcast_in_dim3A_296 : vector<16xf32> to vector<16xi32>
        %shift_right_logical3A_298 = arith.constant 1 : i32
        %shift_right_logical3A_299 = vector.broadcast %shift_right_logical3A_298 : i32 to vector<16xi32>
        %shift_right_logical3A_300 = arith.shrui %bitcast3A_297, %shift_right_logical3A_299 : vector<16xi32>
        %sub3A_301 = arith.constant 1597463007 : i32
        %sub3A_302 = vector.broadcast %sub3A_301 : i32 to vector<16xi32>
        %sub3A_303 = arith.subi %sub3A_302, %shift_right_logical3A_300 : vector<16xi32>
        %bitcast3A_304 = vector.bitcast %sub3A_303 : vector<16xi32> to vector<16xf32>
        %mul3A_305 = arith.constant 5.000000e-01 : f32
        %mul3A_306 = vector.broadcast %mul3A_305 : f32 to vector<16xf32>
        %mul3A_307 = arith.mulf %broadcast_in_dim3A_296, %mul3A_306 : vector<16xf32>
        %mul3A_308 = arith.mulf %mul3A_307, %bitcast3A_304 : vector<16xf32>
        %mul3A_309 = arith.mulf %mul3A_308, %bitcast3A_304 : vector<16xf32>
        %sub3A_310 = arith.constant 1.500000e+00 : f32
        %sub3A_311 = vector.broadcast %sub3A_310 : f32 to vector<16xf32>
        %sub3A_312 = arith.subf %sub3A_311, %mul3A_309 : vector<16xf32>
        %mul3A_313 = arith.mulf %bitcast3A_304, %sub3A_312 : vector<16xf32>
        %sub3A_314 = arith.subf %get3A_262, %broadcast_in_dim3A_294 : vector<16xf32>
        %mul3A_315 = arith.mulf %sub3A_314, %mul3A_313 : vector<16xf32>
        %mul3A_316 = arith.mulf %mul3A_315, %get3A_3 : vector<16xf32>
        %add3A_317 = arith.addf %mul3A_316, %get3A_11 : vector<16xf32>
        %swap3A_318 = arith.index_cast %scan3A_100 : i32 to index
        %swap3A_319 = arith.constant 128 : index
        %swap3A_320 = tpu.vector_load %arg8[%swap3A_318, %swap3A_319] {strides = array<i32>} : memref<64x512xf32, #tpu.memory_space<vmem>>, vector<16xf32>,
        tpu.vector_store %arg8[%swap3A_318, %swap3A_319], %add3A_317 {strides = array<i32>} : memref<64x512xf32, #tpu.memory_space<vmem>>, vector<16xf32>,
        %sub3A_321 = arith.subf %get3A_265, %broadcast_in_dim3A_294 : vector<16xf32>
        %mul3A_322 = arith.mulf %sub3A_321, %mul3A_313 : vector<16xf32>
        %mul3A_323 = arith.mulf %mul3A_322, %get3A_5 : vector<16xf32>
        %add3A_324 = arith.addf %mul3A_323, %get3A_13 : vector<16xf32>
        %swap3A_325 = arith.index_cast %scan3A_100 : i32 to index
        %swap3A_326 = arith.constant 144 : index
        %swap3A_327 = tpu.vector_load %arg8[%swap3A_325, %swap3A_326] {strides = array<i32>} : memref<64x512xf32, #tpu.memory_space<vmem>>, vector<16xf32>,
        tpu.vector_store %arg8[%swap3A_325, %swap3A_326], %add3A_324 {strides = array<i32>} : memref<64x512xf32, #tpu.memory_space<vmem>>, vector<16xf32>,
        %sub3A_328 = arith.subf %get3A_268, %broadcast_in_dim3A_294 : vector<16xf32>
        %mul3A_329 = arith.mulf %sub3A_328, %mul3A_313 : vector<16xf32>
        %mul3A_330 = arith.mulf %mul3A_329, %get3A_7 : vector<16xf32>
        %add3A_331 = arith.addf %mul3A_330, %get3A_15 : vector<16xf32>
        %swap3A_332 = arith.index_cast %scan3A_100 : i32 to index
        %swap3A_333 = arith.constant 160 : index
        %swap3A_334 = tpu.vector_load %arg8[%swap3A_332, %swap3A_333] {strides = array<i32>} : memref<64x512xf32, #tpu.memory_space<vmem>>, vector<16xf32>,
        tpu.vector_store %arg8[%swap3A_332, %swap3A_333], %add3A_331 {strides = array<i32>} : memref<64x512xf32, #tpu.memory_space<vmem>>, vector<16xf32>,
        %sub3A_335 = arith.subf %get3A_271, %broadcast_in_dim3A_294 : vector<16xf32>
        %mul3A_336 = arith.mulf %sub3A_335, %mul3A_313 : vector<16xf32>
        %mul3A_337 = arith.mulf %mul3A_336, %get3A_9 : vector<16xf32>
        %add3A_338 = arith.addf %mul3A_337, %get3A_17 : vector<16xf32>
        %swap3A_339 = arith.index_cast %scan3A_100 : i32 to index
        %swap3A_340 = arith.constant 176 : index
        %swap3A_341 = tpu.vector_load %arg8[%swap3A_339, %swap3A_340] {strides = array<i32>} : memref<64x512xf32, #tpu.memory_space<vmem>>, vector<16xf32>,
        tpu.vector_store %arg8[%swap3A_339, %swap3A_340], %add3A_338 {strides = array<i32>} : memref<64x512xf32, #tpu.memory_space<vmem>>, vector<16xf32>,
        %get3A_342 = arith.index_cast %scan3A_100 : i32 to index
        %get3A_343 = arith.constant 192 : index
        %get3A_344 = tpu.vector_load %arg8[%get3A_342, %get3A_343] {strides = array<i32>} : memref<64x512xf32, #tpu.memory_space<vmem>>, vector<16xf32>,
        %get3A_345 = arith.index_cast %scan3A_100 : i32 to index
        %get3A_346 = arith.constant 208 : index
        %get3A_347 = tpu.vector_load %arg8[%get3A_345, %get3A_346] {strides = array<i32>} : memref<64x512xf32, #tpu.memory_space<vmem>>, vector<16xf32>,
        %get3A_348 = arith.index_cast %scan3A_100 : i32 to index
        %get3A_349 = arith.constant 224 : index
        %get3A_350 = tpu.vector_load %arg8[%get3A_348, %get3A_349] {strides = array<i32>} : memref<64x512xf32, #tpu.memory_space<vmem>>, vector<16xf32>,
        %get3A_351 = arith.index_cast %scan3A_100 : i32 to index
        %get3A_352 = arith.constant 240 : index
        %get3A_353 = tpu.vector_load %arg8[%get3A_351, %get3A_352] {strides = array<i32>} : memref<64x512xf32, #tpu.memory_space<vmem>>, vector<16xf32>,
        %add3A_354 = arith.addf %get3A_344, %get3A_347 : vector<16xf32>
        %add3A_355 = arith.addf %add3A_354, %get3A_350 : vector<16xf32>
        %add3A_356 = arith.addf %add3A_355, %get3A_353 : vector<16xf32>
        %reduce_sum3A_357 = arith.constant true
        %reduce_sum3A_358 = vector.broadcast %reduce_sum3A_357 : i1 to vector<16xi1>
        %reduce_sum3A_359 = tpu.scan <sum>, %add3A_356 masked %reduce_sum3A_358 : vector<16xf32>, vector<16xi1> -> vector<16xf32>
        %reduce_sum3A_360 = vector.extract %reduce_sum3A_359[15] : f32 from vector<16xf32>
        %mul3A_361 = arith.mulf %get3A_344, %get3A_344 : vector<16xf32>
        %mul3A_362 = arith.mulf %get3A_347, %get3A_347 : vector<16xf32>
        %add3A_363 = arith.addf %mul3A_361, %mul3A_362 : vector<16xf32>
        %mul3A_364 = arith.mulf %get3A_350, %get3A_350 : vector<16xf32>
        %add3A_365 = arith.addf %add3A_363, %mul3A_364 : vector<16xf32>
        %mul3A_366 = arith.mulf %get3A_353, %get3A_353 : vector<16xf32>
        %add3A_367 = arith.addf %add3A_365, %mul3A_366 : vector<16xf32>
        %reduce_sum3A_368 = arith.constant true
        %reduce_sum3A_369 = vector.broadcast %reduce_sum3A_368 : i1 to vector<16xi1>
        %reduce_sum3A_370 = tpu.scan <sum>, %add3A_367 masked %reduce_sum3A_369 : vector<16xf32>, vector<16xi1> -> vector<16xf32>
        %reduce_sum3A_371 = vector.extract %reduce_sum3A_370[15] : f32 from vector<16xf32>
        %mul3A_372 = arith.mulf %reduce_sum3A_360, %scan3A : f32
        %mul3A_373 = arith.mulf %reduce_sum3A_371, %scan3A : f32
        %mul3A_374 = arith.mulf %mul3A_372, %mul3A_372 : f32
        %sub3A_375 = arith.subf %mul3A_373, %mul3A_374 : f32
        %broadcast_in_dim3A_376 = vector.broadcast %mul3A_372 : f32 to vector<16xf32>
        %add3A_377 = arith.addf %sub3A_375, %scan3A_22 : f32
        %broadcast_in_dim3A_378 = vector.broadcast %add3A_377 : f32 to vector<16xf32>
        %bitcast3A_379 = vector.bitcast %broadcast_in_dim3A_378 : vector<16xf32> to vector<16xi32>
        %shift_right_logical3A_380 = arith.constant 1 : i32
        %shift_right_logical3A_381 = vector.broadcast %shift_right_logical3A_380 : i32 to vector<16xi32>
        %shift_right_logical3A_382 = arith.shrui %bitcast3A_379, %shift_right_logical3A_381 : vector<16xi32>
        %sub3A_383 = arith.constant 1597463007 : i32
        %sub3A_384 = vector.broadcast %sub3A_383 : i32 to vector<16xi32>
        %sub3A_385 = arith.subi %sub3A_384, %shift_right_logical3A_382 : vector<16xi32>
        %bitcast3A_386 = vector.bitcast %sub3A_385 : vector<16xi32> to vector<16xf32>
        %mul3A_387 = arith.constant 5.000000e-01 : f32
        %mul3A_388 = vector.broadcast %mul3A_387 : f32 to vector<16xf32>
        %mul3A_389 = arith.mulf %broadcast_in_dim3A_378, %mul3A_388 : vector<16xf32>
        %mul3A_390 = arith.mulf %mul3A_389, %bitcast3A_386 : vector<16xf32>
        %mul3A_391 = arith.mulf %mul3A_390, %bitcast3A_386 : vector<16xf32>
        %sub3A_392 = arith.constant 1.500000e+00 : f32
        %sub3A_393 = vector.broadcast %sub3A_392 : f32 to vector<16xf32>
        %sub3A_394 = arith.subf %sub3A_393, %mul3A_391 : vector<16xf32>
        %mul3A_395 = arith.mulf %bitcast3A_386, %sub3A_394 : vector<16xf32>
        %sub3A_396 = arith.subf %get3A_344, %broadcast_in_dim3A_376 : vector<16xf32>
        %mul3A_397 = arith.mulf %sub3A_396, %mul3A_395 : vector<16xf32>
        %mul3A_398 = arith.mulf %mul3A_397, %get3A_3 : vector<16xf32>
        %add3A_399 = arith.addf %mul3A_398, %get3A_11 : vector<16xf32>
        %swap3A_400 = arith.index_cast %scan3A_100 : i32 to index
        %swap3A_401 = arith.constant 192 : index
        %swap3A_402 = tpu.vector_load %arg8[%swap3A_400, %swap3A_401] {strides = array<i32>} : memref<64x512xf32, #tpu.memory_space<vmem>>, vector<16xf32>,
        tpu.vector_store %arg8[%swap3A_400, %swap3A_401], %add3A_399 {strides = array<i32>} : memref<64x512xf32, #tpu.memory_space<vmem>>, vector<16xf32>,
        %sub3A_403 = arith.subf %get3A_347, %broadcast_in_dim3A_376 : vector<16xf32>
        %mul3A_404 = arith.mulf %sub3A_403, %mul3A_395 : vector<16xf32>
        %mul3A_405 = arith.mulf %mul3A_404, %get3A_5 : vector<16xf32>
        %add3A_406 = arith.addf %mul3A_405, %get3A_13 : vector<16xf32>
        %swap3A_407 = arith.index_cast %scan3A_100 : i32 to index
        %swap3A_408 = arith.constant 208 : index
        %swap3A_409 = tpu.vector_load %arg8[%swap3A_407, %swap3A_408] {strides = array<i32>} : memref<64x512xf32, #tpu.memory_space<vmem>>, vector<16xf32>,
        tpu.vector_store %arg8[%swap3A_407, %swap3A_408], %add3A_406 {strides = array<i32>} : memref<64x512xf32, #tpu.memory_space<vmem>>, vector<16xf32>,
        %sub3A_410 = arith.subf %get3A_350, %broadcast_in_dim3A_376 : vector<16xf32>
        %mul3A_411 = arith.mulf %sub3A_410, %mul3A_395 : vector<16xf32>
        %mul3A_412 = arith.mulf %mul3A_411, %get3A_7 : vector<16xf32>
        %add3A_413 = arith.addf %mul3A_412, %get3A_15 : vector<16xf32>
        %swap3A_414 = arith.index_cast %scan3A_100 : i32 to index
        %swap3A_415 = arith.constant 224 : index
        %swap3A_416 = tpu.vector_load %arg8[%swap3A_414, %swap3A_415] {strides = array<i32>} : memref<64x512xf32, #tpu.memory_space<vmem>>, vector<16xf32>,
        tpu.vector_store %arg8[%swap3A_414, %swap3A_415], %add3A_413 {strides = array<i32>} : memref<64x512xf32, #tpu.memory_space<vmem>>, vector<16xf32>,
        %sub3A_417 = arith.subf %get3A_353, %broadcast_in_dim3A_376 : vector<16xf32>
        %mul3A_418 = arith.mulf %sub3A_417, %mul3A_395 : vector<16xf32>
        %mul3A_419 = arith.mulf %mul3A_418, %get3A_9 : vector<16xf32>
        %add3A_420 = arith.addf %mul3A_419, %get3A_17 : vector<16xf32>
        %swap3A_421 = arith.index_cast %scan3A_100 : i32 to index
        %swap3A_422 = arith.constant 240 : index
        %swap3A_423 = tpu.vector_load %arg8[%swap3A_421, %swap3A_422] {strides = array<i32>} : memref<64x512xf32, #tpu.memory_space<vmem>>, vector<16xf32>,
        tpu.vector_store %arg8[%swap3A_421, %swap3A_422], %add3A_420 {strides = array<i32>} : memref<64x512xf32, #tpu.memory_space<vmem>>, vector<16xf32>,
        %get3A_424 = arith.index_cast %scan3A_100 : i32 to index
        %get3A_425 = arith.constant 256 : index
        %get3A_426 = tpu.vector_load %arg8[%get3A_424, %get3A_425] {strides = array<i32>} : memref<64x512xf32, #tpu.memory_space<vmem>>, vector<16xf32>,
        %get3A_427 = arith.index_cast %scan3A_100 : i32 to index
        %get3A_428 = arith.constant 272 : index
        %get3A_429 = tpu.vector_load %arg8[%get3A_427, %get3A_428] {strides = array<i32>} : memref<64x512xf32, #tpu.memory_space<vmem>>, vector<16xf32>,
        %get3A_430 = arith.index_cast %scan3A_100 : i32 to index
        %get3A_431 = arith.constant 288 : index
        %get3A_432 = tpu.vector_load %arg8[%get3A_430, %get3A_431] {strides = array<i32>} : memref<64x512xf32, #tpu.memory_space<vmem>>, vector<16xf32>,
        %get3A_433 = arith.index_cast %scan3A_100 : i32 to index
        %get3A_434 = arith.constant 304 : index
        %get3A_435 = tpu.vector_load %arg8[%get3A_433, %get3A_434] {strides = array<i32>} : memref<64x512xf32, #tpu.memory_space<vmem>>, vector<16xf32>,
        %add3A_436 = arith.addf %get3A_426, %get3A_429 : vector<16xf32>
        %add3A_437 = arith.addf %add3A_436, %get3A_432 : vector<16xf32>
        %add3A_438 = arith.addf %add3A_437, %get3A_435 : vector<16xf32>
        %reduce_sum3A_439 = arith.constant true
        %reduce_sum3A_440 = vector.broadcast %reduce_sum3A_439 : i1 to vector<16xi1>
        %reduce_sum3A_441 = tpu.scan <sum>, %add3A_438 masked %reduce_sum3A_440 : vector<16xf32>, vector<16xi1> -> vector<16xf32>
        %reduce_sum3A_442 = vector.extract %reduce_sum3A_441[15] : f32 from vector<16xf32>
        %mul3A_443 = arith.mulf %get3A_426, %get3A_426 : vector<16xf32>
        %mul3A_444 = arith.mulf %get3A_429, %get3A_429 : vector<16xf32>
        %add3A_445 = arith.addf %mul3A_443, %mul3A_444 : vector<16xf32>
        %mul3A_446 = arith.mulf %get3A_432, %get3A_432 : vector<16xf32>
        %add3A_447 = arith.addf %add3A_445, %mul3A_446 : vector<16xf32>
        %mul3A_448 = arith.mulf %get3A_435, %get3A_435 : vector<16xf32>
        %add3A_449 = arith.addf %add3A_447, %mul3A_448 : vector<16xf32>
        %reduce_sum3A_450 = arith.constant true
        %reduce_sum3A_451 = vector.broadcast %reduce_sum3A_450 : i1 to vector<16xi1>
        %reduce_sum3A_452 = tpu.scan <sum>, %add3A_449 masked %reduce_sum3A_451 : vector<16xf32>, vector<16xi1> -> vector<16xf32>
        %reduce_sum3A_453 = vector.extract %reduce_sum3A_452[15] : f32 from vector<16xf32>
        %mul3A_454 = arith.mulf %reduce_sum3A_442, %scan3A : f32
        %mul3A_455 = arith.mulf %reduce_sum3A_453, %scan3A : f32
        %mul3A_456 = arith.mulf %mul3A_454, %mul3A_454 : f32
        %sub3A_457 = arith.subf %mul3A_455, %mul3A_456 : f32
        %broadcast_in_dim3A_458 = vector.broadcast %mul3A_454 : f32 to vector<16xf32>
        %add3A_459 = arith.addf %sub3A_457, %scan3A_22 : f32
        %broadcast_in_dim3A_460 = vector.broadcast %add3A_459 : f32 to vector<16xf32>
        %bitcast3A_461 = vector.bitcast %broadcast_in_dim3A_460 : vector<16xf32> to vector<16xi32>
        %shift_right_logical3A_462 = arith.constant 1 : i32
        %shift_right_logical3A_463 = vector.broadcast %shift_right_logical3A_462 : i32 to vector<16xi32>
        %shift_right_logical3A_464 = arith.shrui %bitcast3A_461, %shift_right_logical3A_463 : vector<16xi32>
        %sub3A_465 = arith.constant 1597463007 : i32
        %sub3A_466 = vector.broadcast %sub3A_465 : i32 to vector<16xi32>
        %sub3A_467 = arith.subi %sub3A_466, %shift_right_logical3A_464 : vector<16xi32>
        %bitcast3A_468 = vector.bitcast %sub3A_467 : vector<16xi32> to vector<16xf32>
        %mul3A_469 = arith.constant 5.000000e-01 : f32
        %mul3A_470 = vector.broadcast %mul3A_469 : f32 to vector<16xf32>
        %mul3A_471 = arith.mulf %broadcast_in_dim3A_460, %mul3A_470 : vector<16xf32>
        %mul3A_472 = arith.mulf %mul3A_471, %bitcast3A_468 : vector<16xf32>
        %mul3A_473 = arith.mulf %mul3A_472, %bitcast3A_468 : vector<16xf32>
        %sub3A_474 = arith.constant 1.500000e+00 : f32
        %sub3A_475 = vector.broadcast %sub3A_474 : f32 to vector<16xf32>
        %sub3A_476 = arith.subf %sub3A_475, %mul3A_473 : vector<16xf32>
        %mul3A_477 = arith.mulf %bitcast3A_468, %sub3A_476 : vector<16xf32>
        %sub3A_478 = arith.subf %get3A_426, %broadcast_in_dim3A_458 : vector<16xf32>
        %mul3A_479 = arith.mulf %sub3A_478, %mul3A_477 : vector<16xf32>
        %mul3A_480 = arith.mulf %mul3A_479, %get3A_3 : vector<16xf32>
        %add3A_481 = arith.addf %mul3A_480, %get3A_11 : vector<16xf32>
        %swap3A_482 = arith.index_cast %scan3A_100 : i32 to index
        %swap3A_483 = arith.constant 256 : index
        %swap3A_484 = tpu.vector_load %arg8[%swap3A_482, %swap3A_483] {strides = array<i32>} : memref<64x512xf32, #tpu.memory_space<vmem>>, vector<16xf32>,
        tpu.vector_store %arg8[%swap3A_482, %swap3A_483], %add3A_481 {strides = array<i32>} : memref<64x512xf32, #tpu.memory_space<vmem>>, vector<16xf32>,
        %sub3A_485 = arith.subf %get3A_429, %broadcast_in_dim3A_458 : vector<16xf32>
        %mul3A_486 = arith.mulf %sub3A_485, %mul3A_477 : vector<16xf32>
        %mul3A_487 = arith.mulf %mul3A_486, %get3A_5 : vector<16xf32>
        %add3A_488 = arith.addf %mul3A_487, %get3A_13 : vector<16xf32>
        %swap3A_489 = arith.index_cast %scan3A_100 : i32 to index
        %swap3A_490 = arith.constant 272 : index
        %swap3A_491 = tpu.vector_load %arg8[%swap3A_489, %swap3A_490] {strides = array<i32>} : memref<64x512xf32, #tpu.memory_space<vmem>>, vector<16xf32>,
        tpu.vector_store %arg8[%swap3A_489, %swap3A_490], %add3A_488 {strides = array<i32>} : memref<64x512xf32, #tpu.memory_space<vmem>>, vector<16xf32>,
        %sub3A_492 = arith.subf %get3A_432, %broadcast_in_dim3A_458 : vector<16xf32>
        %mul3A_493 = arith.mulf %sub3A_492, %mul3A_477 : vector<16xf32>
        %mul3A_494 = arith.mulf %mul3A_493, %get3A_7 : vector<16xf32>
        %add3A_495 = arith.addf %mul3A_494, %get3A_15 : vector<16xf32>
        %swap3A_496 = arith.index_cast %scan3A_100 : i32 to index
        %swap3A_497 = arith.constant 288 : index
        %swap3A_498 = tpu.vector_load %arg8[%swap3A_496, %swap3A_497] {strides = array<i32>} : memref<64x512xf32, #tpu.memory_space<vmem>>, vector<16xf32>,
        tpu.vector_store %arg8[%swap3A_496, %swap3A_497], %add3A_495 {strides = array<i32>} : memref<64x512xf32, #tpu.memory_space<vmem>>, vector<16xf32>,
        %sub3A_499 = arith.subf %get3A_435, %broadcast_in_dim3A_458 : vector<16xf32>
        %mul3A_500 = arith.mulf %sub3A_499, %mul3A_477 : vector<16xf32>
        %mul3A_501 = arith.mulf %mul3A_500, %get3A_9 : vector<16xf32>
        %add3A_502 = arith.addf %mul3A_501, %get3A_17 : vector<16xf32>
        %swap3A_503 = arith.index_cast %scan3A_100 : i32 to index
        %swap3A_504 = arith.constant 304 : index
        %swap3A_505 = tpu.vector_load %arg8[%swap3A_503, %swap3A_504] {strides = array<i32>} : memref<64x512xf32, #tpu.memory_space<vmem>>, vector<16xf32>,
        tpu.vector_store %arg8[%swap3A_503, %swap3A_504], %add3A_502 {strides = array<i32>} : memref<64x512xf32, #tpu.memory_space<vmem>>, vector<16xf32>,
        %get3A_506 = arith.index_cast %scan3A_100 : i32 to index
        %get3A_507 = arith.constant 320 : index
        %get3A_508 = tpu.vector_load %arg8[%get3A_506, %get3A_507] {strides = array<i32>} : memref<64x512xf32, #tpu.memory_space<vmem>>, vector<16xf32>,
        %get3A_509 = arith.index_cast %scan3A_100 : i32 to index
        %get3A_510 = arith.constant 336 : index
        %get3A_511 = tpu.vector_load %arg8[%get3A_509, %get3A_510] {strides = array<i32>} : memref<64x512xf32, #tpu.memory_space<vmem>>, vector<16xf32>,
        %get3A_512 = arith.index_cast %scan3A_100 : i32 to index
        %get3A_513 = arith.constant 352 : index
        %get3A_514 = tpu.vector_load %arg8[%get3A_512, %get3A_513] {strides = array<i32>} : memref<64x512xf32, #tpu.memory_space<vmem>>, vector<16xf32>,
        %get3A_515 = arith.index_cast %scan3A_100 : i32 to index
        %get3A_516 = arith.constant 368 : index
        %get3A_517 = tpu.vector_load %arg8[%get3A_515, %get3A_516] {strides = array<i32>} : memref<64x512xf32, #tpu.memory_space<vmem>>, vector<16xf32>,
        %add3A_518 = arith.addf %get3A_508, %get3A_511 : vector<16xf32>
        %add3A_519 = arith.addf %add3A_518, %get3A_514 : vector<16xf32>
        %add3A_520 = arith.addf %add3A_519, %get3A_517 : vector<16xf32>
        %reduce_sum3A_521 = arith.constant true
        %reduce_sum3A_522 = vector.broadcast %reduce_sum3A_521 : i1 to vector<16xi1>
        %reduce_sum3A_523 = tpu.scan <sum>, %add3A_520 masked %reduce_sum3A_522 : vector<16xf32>, vector<16xi1> -> vector<16xf32>
        %reduce_sum3A_524 = vector.extract %reduce_sum3A_523[15] : f32 from vector<16xf32>
        %mul3A_525 = arith.mulf %get3A_508, %get3A_508 : vector<16xf32>
        %mul3A_526 = arith.mulf %get3A_511, %get3A_511 : vector<16xf32>
        %add3A_527 = arith.addf %mul3A_525, %mul3A_526 : vector<16xf32>
        %mul3A_528 = arith.mulf %get3A_514, %get3A_514 : vector<16xf32>
        %add3A_529 = arith.addf %add3A_527, %mul3A_528 : vector<16xf32>
        %mul3A_530 = arith.mulf %get3A_517, %get3A_517 : vector<16xf32>
        %add3A_531 = arith.addf %add3A_529, %mul3A_530 : vector<16xf32>
        %reduce_sum3A_532 = arith.constant true
        %reduce_sum3A_533 = vector.broadcast %reduce_sum3A_532 : i1 to vector<16xi1>
        %reduce_sum3A_534 = tpu.scan <sum>, %add3A_531 masked %reduce_sum3A_533 : vector<16xf32>, vector<16xi1> -> vector<16xf32>
        %reduce_sum3A_535 = vector.extract %reduce_sum3A_534[15] : f32 from vector<16xf32>
        %mul3A_536 = arith.mulf %reduce_sum3A_524, %scan3A : f32
        %mul3A_537 = arith.mulf %reduce_sum3A_535, %scan3A : f32
        %mul3A_538 = arith.mulf %mul3A_536, %mul3A_536 : f32
        %sub3A_539 = arith.subf %mul3A_537, %mul3A_538 : f32
        %broadcast_in_dim3A_540 = vector.broadcast %mul3A_536 : f32 to vector<16xf32>
        %add3A_541 = arith.addf %sub3A_539, %scan3A_22 : f32
        %broadcast_in_dim3A_542 = vector.broadcast %add3A_541 : f32 to vector<16xf32>
        %bitcast3A_543 = vector.bitcast %broadcast_in_dim3A_542 : vector<16xf32> to vector<16xi32>
        %shift_right_logical3A_544 = arith.constant 1 : i32
        %shift_right_logical3A_545 = vector.broadcast %shift_right_logical3A_544 : i32 to vector<16xi32>
        %shift_right_logical3A_546 = arith.shrui %bitcast3A_543, %shift_right_logical3A_545 : vector<16xi32>
        %sub3A_547 = arith.constant 1597463007 : i32
        %sub3A_548 = vector.broadcast %sub3A_547 : i32 to vector<16xi32>
        %sub3A_549 = arith.subi %sub3A_548, %shift_right_logical3A_546 : vector<16xi32>
        %bitcast3A_550 = vector.bitcast %sub3A_549 : vector<16xi32> to vector<16xf32>
        %mul3A_551 = arith.constant 5.000000e-01 : f32
        %mul3A_552 = vector.broadcast %mul3A_551 : f32 to vector<16xf32>
        %mul3A_553 = arith.mulf %broadcast_in_dim3A_542, %mul3A_552 : vector<16xf32>
        %mul3A_554 = arith.mulf %mul3A_553, %bitcast3A_550 : vector<16xf32>
        %mul3A_555 = arith.mulf %mul3A_554, %bitcast3A_550 : vector<16xf32>
        %sub3A_556 = arith.constant 1.500000e+00 : f32
        %sub3A_557 = vector.broadcast %sub3A_556 : f32 to vector<16xf32>
        %sub3A_558 = arith.subf %sub3A_557, %mul3A_555 : vector<16xf32>
        %mul3A_559 = arith.mulf %bitcast3A_550, %sub3A_558 : vector<16xf32>
        %sub3A_560 = arith.subf %get3A_508, %broadcast_in_dim3A_540 : vector<16xf32>
        %mul3A_561 = arith.mulf %sub3A_560, %mul3A_559 : vector<16xf32>
        %mul3A_562 = arith.mulf %mul3A_561, %get3A_3 : vector<16xf32>
        %add3A_563 = arith.addf %mul3A_562, %get3A_11 : vector<16xf32>
        %swap3A_564 = arith.index_cast %scan3A_100 : i32 to index
        %swap3A_565 = arith.constant 320 : index
        %swap3A_566 = tpu.vector_load %arg8[%swap3A_564, %swap3A_565] {strides = array<i32>} : memref<64x512xf32, #tpu.memory_space<vmem>>, vector<16xf32>,
        tpu.vector_store %arg8[%swap3A_564, %swap3A_565], %add3A_563 {strides = array<i32>} : memref<64x512xf32, #tpu.memory_space<vmem>>, vector<16xf32>,
        %sub3A_567 = arith.subf %get3A_511, %broadcast_in_dim3A_540 : vector<16xf32>
        %mul3A_568 = arith.mulf %sub3A_567, %mul3A_559 : vector<16xf32>
        %mul3A_569 = arith.mulf %mul3A_568, %get3A_5 : vector<16xf32>
        %add3A_570 = arith.addf %mul3A_569, %get3A_13 : vector<16xf32>
        %swap3A_571 = arith.index_cast %scan3A_100 : i32 to index
        %swap3A_572 = arith.constant 336 : index
        %swap3A_573 = tpu.vector_load %arg8[%swap3A_571, %swap3A_572] {strides = array<i32>} : memref<64x512xf32, #tpu.memory_space<vmem>>, vector<16xf32>,
        tpu.vector_store %arg8[%swap3A_571, %swap3A_572], %add3A_570 {strides = array<i32>} : memref<64x512xf32, #tpu.memory_space<vmem>>, vector<16xf32>,
        %sub3A_574 = arith.subf %get3A_514, %broadcast_in_dim3A_540 : vector<16xf32>
        %mul3A_575 = arith.mulf %sub3A_574, %mul3A_559 : vector<16xf32>
        %mul3A_576 = arith.mulf %mul3A_575, %get3A_7 : vector<16xf32>
        %add3A_577 = arith.addf %mul3A_576, %get3A_15 : vector<16xf32>
        %swap3A_578 = arith.index_cast %scan3A_100 : i32 to index
        %swap3A_579 = arith.constant 352 : index
        %swap3A_580 = tpu.vector_load %arg8[%swap3A_578, %swap3A_579] {strides = array<i32>} : memref<64x512xf32, #tpu.memory_space<vmem>>, vector<16xf32>,
        tpu.vector_store %arg8[%swap3A_578, %swap3A_579], %add3A_577 {strides = array<i32>} : memref<64x512xf32, #tpu.memory_space<vmem>>, vector<16xf32>,
        %sub3A_581 = arith.subf %get3A_517, %broadcast_in_dim3A_540 : vector<16xf32>
        %mul3A_582 = arith.mulf %sub3A_581, %mul3A_559 : vector<16xf32>
        %mul3A_583 = arith.mulf %mul3A_582, %get3A_9 : vector<16xf32>
        %add3A_584 = arith.addf %mul3A_583, %get3A_17 : vector<16xf32>
        %swap3A_585 = arith.index_cast %scan3A_100 : i32 to index
        %swap3A_586 = arith.constant 368 : index
        %swap3A_587 = tpu.vector_load %arg8[%swap3A_585, %swap3A_586] {strides = array<i32>} : memref<64x512xf32, #tpu.memory_space<vmem>>, vector<16xf32>,
        tpu.vector_store %arg8[%swap3A_585, %swap3A_586], %add3A_584 {strides = array<i32>} : memref<64x512xf32, #tpu.memory_space<vmem>>, vector<16xf32>,
        %get3A_588 = arith.index_cast %scan3A_100 : i32 to index
        %get3A_589 = arith.constant 384 : index
        %get3A_590 = tpu.vector_load %arg8[%get3A_588, %get3A_589] {strides = array<i32>} : memref<64x512xf32, #tpu.memory_space<vmem>>, vector<16xf32>,
        %get3A_591 = arith.index_cast %scan3A_100 : i32 to index
        %get3A_592 = arith.constant 400 : index
        %get3A_593 = tpu.vector_load %arg8[%get3A_591, %get3A_592] {strides = array<i32>} : memref<64x512xf32, #tpu.memory_space<vmem>>, vector<16xf32>,
        %get3A_594 = arith.index_cast %scan3A_100 : i32 to index
        %get3A_595 = arith.constant 416 : index
        %get3A_596 = tpu.vector_load %arg8[%get3A_594, %get3A_595] {strides = array<i32>} : memref<64x512xf32, #tpu.memory_space<vmem>>, vector<16xf32>,
        %get3A_597 = arith.index_cast %scan3A_100 : i32 to index
        %get3A_598 = arith.constant 432 : index
        %get3A_599 = tpu.vector_load %arg8[%get3A_597, %get3A_598] {strides = array<i32>} : memref<64x512xf32, #tpu.memory_space<vmem>>, vector<16xf32>,
        %add3A_600 = arith.addf %get3A_590, %get3A_593 : vector<16xf32>
        %add3A_601 = arith.addf %add3A_600, %get3A_596 : vector<16xf32>
        %add3A_602 = arith.addf %add3A_601, %get3A_599 : vector<16xf32>
        %reduce_sum3A_603 = arith.constant true
        %reduce_sum3A_604 = vector.broadcast %reduce_sum3A_603 : i1 to vector<16xi1>
        %reduce_sum3A_605 = tpu.scan <sum>, %add3A_602 masked %reduce_sum3A_604 : vector<16xf32>, vector<16xi1> -> vector<16xf32>
        %reduce_sum3A_606 = vector.extract %reduce_sum3A_605[15] : f32 from vector<16xf32>
        %mul3A_607 = arith.mulf %get3A_590, %get3A_590 : vector<16xf32>
        %mul3A_608 = arith.mulf %get3A_593, %get3A_593 : vector<16xf32>
        %add3A_609 = arith.addf %mul3A_607, %mul3A_608 : vector<16xf32>
        %mul3A_610 = arith.mulf %get3A_596, %get3A_596 : vector<16xf32>
        %add3A_611 = arith.addf %add3A_609, %mul3A_610 : vector<16xf32>
        %mul3A_612 = arith.mulf %get3A_599, %get3A_599 : vector<16xf32>
        %add3A_613 = arith.addf %add3A_611, %mul3A_612 : vector<16xf32>
        %reduce_sum3A_614 = arith.constant true
        %reduce_sum3A_615 = vector.broadcast %reduce_sum3A_614 : i1 to vector<16xi1>
        %reduce_sum3A_616 = tpu.scan <sum>, %add3A_613 masked %reduce_sum3A_615 : vector<16xf32>, vector<16xi1> -> vector<16xf32>
        %reduce_sum3A_617 = vector.extract %reduce_sum3A_616[15] : f32 from vector<16xf32>
        %mul3A_618 = arith.mulf %reduce_sum3A_606, %scan3A : f32
        %mul3A_619 = arith.mulf %reduce_sum3A_617, %scan3A : f32
        %mul3A_620 = arith.mulf %mul3A_618, %mul3A_618 : f32
        %sub3A_621 = arith.subf %mul3A_619, %mul3A_620 : f32
        %broadcast_in_dim3A_622 = vector.broadcast %mul3A_618 : f32 to vector<16xf32>
        %add3A_623 = arith.addf %sub3A_621, %scan3A_22 : f32
        %broadcast_in_dim3A_624 = vector.broadcast %add3A_623 : f32 to vector<16xf32>
        %bitcast3A_625 = vector.bitcast %broadcast_in_dim3A_624 : vector<16xf32> to vector<16xi32>
        %shift_right_logical3A_626 = arith.constant 1 : i32
        %shift_right_logical3A_627 = vector.broadcast %shift_right_logical3A_626 : i32 to vector<16xi32>
        %shift_right_logical3A_628 = arith.shrui %bitcast3A_625, %shift_right_logical3A_627 : vector<16xi32>
        %sub3A_629 = arith.constant 1597463007 : i32
        %sub3A_630 = vector.broadcast %sub3A_629 : i32 to vector<16xi32>
        %sub3A_631 = arith.subi %sub3A_630, %shift_right_logical3A_628 : vector<16xi32>
        %bitcast3A_632 = vector.bitcast %sub3A_631 : vector<16xi32> to vector<16xf32>
        %mul3A_633 = arith.constant 5.000000e-01 : f32
        %mul3A_634 = vector.broadcast %mul3A_633 : f32 to vector<16xf32>
        %mul3A_635 = arith.mulf %broadcast_in_dim3A_624, %mul3A_634 : vector<16xf32>
        %mul3A_636 = arith.mulf %mul3A_635, %bitcast3A_632 : vector<16xf32>
        %mul3A_637 = arith.mulf %mul3A_636, %bitcast3A_632 : vector<16xf32>
        %sub3A_638 = arith.constant 1.500000e+00 : f32
        %sub3A_639 = vector.broadcast %sub3A_638 : f32 to vector<16xf32>
        %sub3A_640 = arith.subf %sub3A_639, %mul3A_637 : vector<16xf32>
        %mul3A_641 = arith.mulf %bitcast3A_632, %sub3A_640 : vector<16xf32>
        %sub3A_642 = arith.subf %get3A_590, %broadcast_in_dim3A_622 : vector<16xf32>
        %mul3A_643 = arith.mulf %sub3A_642, %mul3A_641 : vector<16xf32>
        %mul3A_644 = arith.mulf %mul3A_643, %get3A_3 : vector<16xf32>
        %add3A_645 = arith.addf %mul3A_644, %get3A_11 : vector<16xf32>
        %swap3A_646 = arith.index_cast %scan3A_100 : i32 to index
        %swap3A_647 = arith.constant 384 : index
        %swap3A_648 = tpu.vector_load %arg8[%swap3A_646, %swap3A_647] {strides = array<i32>} : memref<64x512xf32, #tpu.memory_space<vmem>>, vector<16xf32>,
        tpu.vector_store %arg8[%swap3A_646, %swap3A_647], %add3A_645 {strides = array<i32>} : memref<64x512xf32, #tpu.memory_space<vmem>>, vector<16xf32>,
        %sub3A_649 = arith.subf %get3A_593, %broadcast_in_dim3A_622 : vector<16xf32>
        %mul3A_650 = arith.mulf %sub3A_649, %mul3A_641 : vector<16xf32>
        %mul3A_651 = arith.mulf %mul3A_650, %get3A_5 : vector<16xf32>
        %add3A_652 = arith.addf %mul3A_651, %get3A_13 : vector<16xf32>
        %swap3A_653 = arith.index_cast %scan3A_100 : i32 to index
        %swap3A_654 = arith.constant 400 : index
        %swap3A_655 = tpu.vector_load %arg8[%swap3A_653, %swap3A_654] {strides = array<i32>} : memref<64x512xf32, #tpu.memory_space<vmem>>, vector<16xf32>,
        tpu.vector_store %arg8[%swap3A_653, %swap3A_654], %add3A_652 {strides = array<i32>} : memref<64x512xf32, #tpu.memory_space<vmem>>, vector<16xf32>,
        %sub3A_656 = arith.subf %get3A_596, %broadcast_in_dim3A_622 : vector<16xf32>
        %mul3A_657 = arith.mulf %sub3A_656, %mul3A_641 : vector<16xf32>
        %mul3A_658 = arith.mulf %mul3A_657, %get3A_7 : vector<16xf32>
        %add3A_659 = arith.addf %mul3A_658, %get3A_15 : vector<16xf32>
        %swap3A_660 = arith.index_cast %scan3A_100 : i32 to index
        %swap3A_661 = arith.constant 416 : index
        %swap3A_662 = tpu.vector_load %arg8[%swap3A_660, %swap3A_661] {strides = array<i32>} : memref<64x512xf32, #tpu.memory_space<vmem>>, vector<16xf32>,
        tpu.vector_store %arg8[%swap3A_660, %swap3A_661], %add3A_659 {strides = array<i32>} : memref<64x512xf32, #tpu.memory_space<vmem>>, vector<16xf32>,
        %sub3A_663 = arith.subf %get3A_599, %broadcast_in_dim3A_622 : vector<16xf32>
        %mul3A_664 = arith.mulf %sub3A_663, %mul3A_641 : vector<16xf32>
        %mul3A_665 = arith.mulf %mul3A_664, %get3A_9 : vector<16xf32>
        %add3A_666 = arith.addf %mul3A_665, %get3A_17 : vector<16xf32>
        %swap3A_667 = arith.index_cast %scan3A_100 : i32 to index
        %swap3A_668 = arith.constant 432 : index
        %swap3A_669 = tpu.vector_load %arg8[%swap3A_667, %swap3A_668] {strides = array<i32>} : memref<64x512xf32, #tpu.memory_space<vmem>>, vector<16xf32>,
        tpu.vector_store %arg8[%swap3A_667, %swap3A_668], %add3A_666 {strides = array<i32>} : memref<64x512xf32, #tpu.memory_space<vmem>>, vector<16xf32>,
        %get3A_670 = arith.index_cast %scan3A_100 : i32 to index
        %get3A_671 = arith.constant 448 : index
        %get3A_672 = tpu.vector_load %arg8[%get3A_670, %get3A_671] {strides = array<i32>} : memref<64x512xf32, #tpu.memory_space<vmem>>, vector<16xf32>,
        %get3A_673 = arith.index_cast %scan3A_100 : i32 to index
        %get3A_674 = arith.constant 464 : index
        %get3A_675 = tpu.vector_load %arg8[%get3A_673, %get3A_674] {strides = array<i32>} : memref<64x512xf32, #tpu.memory_space<vmem>>, vector<16xf32>,
        %get3A_676 = arith.index_cast %scan3A_100 : i32 to index
        %get3A_677 = arith.constant 480 : index
        %get3A_678 = tpu.vector_load %arg8[%get3A_676, %get3A_677] {strides = array<i32>} : memref<64x512xf32, #tpu.memory_space<vmem>>, vector<16xf32>,
        %get3A_679 = arith.index_cast %scan3A_100 : i32 to index
        %get3A_680 = arith.constant 496 : index
        %get3A_681 = tpu.vector_load %arg8[%get3A_679, %get3A_680] {strides = array<i32>} : memref<64x512xf32, #tpu.memory_space<vmem>>, vector<16xf32>,
        %add3A_682 = arith.addf %get3A_672, %get3A_675 : vector<16xf32>
        %add3A_683 = arith.addf %add3A_682, %get3A_678 : vector<16xf32>
        %add3A_684 = arith.addf %add3A_683, %get3A_681 : vector<16xf32>
        %reduce_sum3A_685 = arith.constant true
        %reduce_sum3A_686 = vector.broadcast %reduce_sum3A_685 : i1 to vector<16xi1>
        %reduce_sum3A_687 = tpu.scan <sum>, %add3A_684 masked %reduce_sum3A_686 : vector<16xf32>, vector<16xi1> -> vector<16xf32>
        %reduce_sum3A_688 = vector.extract %reduce_sum3A_687[15] : f32 from vector<16xf32>
        %mul3A_689 = arith.mulf %get3A_672, %get3A_672 : vector<16xf32>
        %mul3A_690 = arith.mulf %get3A_675, %get3A_675 : vector<16xf32>
        %add3A_691 = arith.addf %mul3A_689, %mul3A_690 : vector<16xf32>
        %mul3A_692 = arith.mulf %get3A_678, %get3A_678 : vector<16xf32>
        %add3A_693 = arith.addf %add3A_691, %mul3A_692 : vector<16xf32>
        %mul3A_694 = arith.mulf %get3A_681, %get3A_681 : vector<16xf32>
        %add3A_695 = arith.addf %add3A_693, %mul3A_694 : vector<16xf32>
        %reduce_sum3A_696 = arith.constant true
        %reduce_sum3A_697 = vector.broadcast %reduce_sum3A_696 : i1 to vector<16xi1>
        %reduce_sum3A_698 = tpu.scan <sum>, %add3A_695 masked %reduce_sum3A_697 : vector<16xf32>, vector<16xi1> -> vector<16xf32>
        %reduce_sum3A_699 = vector.extract %reduce_sum3A_698[15] : f32 from vector<16xf32>
        %mul3A_700 = arith.mulf %reduce_sum3A_688, %scan3A : f32
        %mul3A_701 = arith.mulf %reduce_sum3A_699, %scan3A : f32
        %mul3A_702 = arith.mulf %mul3A_700, %mul3A_700 : f32
        %sub3A_703 = arith.subf %mul3A_701, %mul3A_702 : f32
        %broadcast_in_dim3A_704 = vector.broadcast %mul3A_700 : f32 to vector<16xf32>
        %add3A_705 = arith.addf %sub3A_703, %scan3A_22 : f32
        %broadcast_in_dim3A_706 = vector.broadcast %add3A_705 : f32 to vector<16xf32>
        %bitcast3A_707 = vector.bitcast %broadcast_in_dim3A_706 : vector<16xf32> to vector<16xi32>
        %shift_right_logical3A_708 = arith.constant 1 : i32
        %shift_right_logical3A_709 = vector.broadcast %shift_right_logical3A_708 : i32 to vector<16xi32>
        %shift_right_logical3A_710 = arith.shrui %bitcast3A_707, %shift_right_logical3A_709 : vector<16xi32>
        %sub3A_711 = arith.constant 1597463007 : i32
        %sub3A_712 = vector.broadcast %sub3A_711 : i32 to vector<16xi32>
        %sub3A_713 = arith.subi %sub3A_712, %shift_right_logical3A_710 : vector<16xi32>
        %bitcast3A_714 = vector.bitcast %sub3A_713 : vector<16xi32> to vector<16xf32>
        %mul3A_715 = arith.constant 5.000000e-01 : f32
        %mul3A_716 = vector.broadcast %mul3A_715 : f32 to vector<16xf32>
        %mul3A_717 = arith.mulf %broadcast_in_dim3A_706, %mul3A_716 : vector<16xf32>
        %mul3A_718 = arith.mulf %mul3A_717, %bitcast3A_714 : vector<16xf32>
        %mul3A_719 = arith.mulf %mul3A_718, %bitcast3A_714 : vector<16xf32>
        %sub3A_720 = arith.constant 1.500000e+00 : f32
        %sub3A_721 = vector.broadcast %sub3A_720 : f32 to vector<16xf32>
        %sub3A_722 = arith.subf %sub3A_721, %mul3A_719 : vector<16xf32>
        %mul3A_723 = arith.mulf %bitcast3A_714, %sub3A_722 : vector<16xf32>
        %sub3A_724 = arith.subf %get3A_672, %broadcast_in_dim3A_704 : vector<16xf32>
        %mul3A_725 = arith.mulf %sub3A_724, %mul3A_723 : vector<16xf32>
        %mul3A_726 = arith.mulf %mul3A_725, %get3A_3 : vector<16xf32>
        %add3A_727 = arith.addf %mul3A_726, %get3A_11 : vector<16xf32>
        %swap3A_728 = arith.index_cast %scan3A_100 : i32 to index
        %swap3A_729 = arith.constant 448 : index
        %swap3A_730 = tpu.vector_load %arg8[%swap3A_728, %swap3A_729] {strides = array<i32>} : memref<64x512xf32, #tpu.memory_space<vmem>>, vector<16xf32>,
        tpu.vector_store %arg8[%swap3A_728, %swap3A_729], %add3A_727 {strides = array<i32>} : memref<64x512xf32, #tpu.memory_space<vmem>>, vector<16xf32>,
        %sub3A_731 = arith.subf %get3A_675, %broadcast_in_dim3A_704 : vector<16xf32>
        %mul3A_732 = arith.mulf %sub3A_731, %mul3A_723 : vector<16xf32>
        %mul3A_733 = arith.mulf %mul3A_732, %get3A_5 : vector<16xf32>
        %add3A_734 = arith.addf %mul3A_733, %get3A_13 : vector<16xf32>
        %swap3A_735 = arith.index_cast %scan3A_100 : i32 to index
        %swap3A_736 = arith.constant 464 : index
        %swap3A_737 = tpu.vector_load %arg8[%swap3A_735, %swap3A_736] {strides = array<i32>} : memref<64x512xf32, #tpu.memory_space<vmem>>, vector<16xf32>,
        tpu.vector_store %arg8[%swap3A_735, %swap3A_736], %add3A_734 {strides = array<i32>} : memref<64x512xf32, #tpu.memory_space<vmem>>, vector<16xf32>,
        %sub3A_738 = arith.subf %get3A_678, %broadcast_in_dim3A_704 : vector<16xf32>
        %mul3A_739 = arith.mulf %sub3A_738, %mul3A_723 : vector<16xf32>
        %mul3A_740 = arith.mulf %mul3A_739, %get3A_7 : vector<16xf32>
        %add3A_741 = arith.addf %mul3A_740, %get3A_15 : vector<16xf32>
        %swap3A_742 = arith.index_cast %scan3A_100 : i32 to index
        %swap3A_743 = arith.constant 480 : index
        %swap3A_744 = tpu.vector_load %arg8[%swap3A_742, %swap3A_743] {strides = array<i32>} : memref<64x512xf32, #tpu.memory_space<vmem>>, vector<16xf32>,
        tpu.vector_store %arg8[%swap3A_742, %swap3A_743], %add3A_741 {strides = array<i32>} : memref<64x512xf32, #tpu.memory_space<vmem>>, vector<16xf32>,
        %sub3A_745 = arith.subf %get3A_681, %broadcast_in_dim3A_704 : vector<16xf32>
        %mul3A_746 = arith.mulf %sub3A_745, %mul3A_723 : vector<16xf32>
        %mul3A_747 = arith.mulf %mul3A_746, %get3A_9 : vector<16xf32>
        %add3A_748 = arith.addf %mul3A_747, %get3A_17 : vector<16xf32>
        %swap3A_749 = arith.index_cast %scan3A_100 : i32 to index
        %swap3A_750 = arith.constant 496 : index
        %swap3A_751 = tpu.vector_load %arg8[%swap3A_749, %swap3A_750] {strides = array<i32>} : memref<64x512xf32, #tpu.memory_space<vmem>>, vector<16xf32>,
        tpu.vector_store %arg8[%swap3A_749, %swap3A_750], %add3A_748 {strides = array<i32>} : memref<64x512xf32, #tpu.memory_space<vmem>>, vector<16xf32>,
        %scan3A_752 = arith.constant 0 : i32
        scf.yield %scan3A_752 : i32
      }
      %scan3A_67 = arith.constant 64 : i32
      %mul3A_68 = arith.constant 64 : i32
      %mul3A_69 = arith.muli %mul3A_44, %mul3A_68 : i32
      %add3A_70 = arith.addi %mul3A_2, %mul3A_69 : i32
      %dma_start3A_71 = arith.constant 0 : i32
      %dma_start3A_72 = tpu.memref_slice %arg6[%add3A_70, %dma_start3A_71] : memref<16384x512xf32, #tpu.memory_space<hbm>> -> memref<64x512xf32, #tpu.memory_space<hbm>>
      %dma_start3A_73 = arith.constant 0 : i32
      %dma_start3A_74 = tpu.memref_slice %arg6[%add3A_70, %dma_start3A_73] : memref<16384x512xf32, #tpu.memory_space<hbm>> -> memref<64x512xf32, #tpu.memory_space<hbm>>
      tpu.enqueue_dma source(%arg8 : memref<64x512xf32, #tpu.memory_space<vmem>>) target(%dma_start3A_74 : memref<64x512xf32, #tpu.memory_space<hbm>>) target_semaphore(%arg14 : memref<!tpu.dma_semaphore, #tpu.memory_space<semaphore_mem>>)
      %mul3A_75 = arith.constant 64 : i32
      %mul3A_76 = arith.muli %add3A_46, %mul3A_75 : i32
      %dma_wait3A_77 = tpu.memref_slice %arg7[%mul3A_76] : memref<512xi32, #tpu.memory_space<vmem>> -> memref<64xi32, #tpu.memory_space<vmem>>
      %dma_wait3A_78 = arith.constant 0 : i32
      %dma_wait3A_79 = arith.constant 0 : i32
      %dma_wait3A_80 = tpu.memref_slice %arg3[%dma_wait3A_78, %dma_wait3A_79] : memref<100000x512xf32, #tpu.memory_space<hbm>> -> memref<100000x512xf32, #tpu.memory_space<hbm>>
      tpu.wait_indirect_dma semaphore(%arg13 : memref<!tpu.dma_semaphore, #tpu.memory_space<semaphore_mem>>) src(%dma_wait3A_80 : memref<100000x512xf32, #tpu.memory_space<hbm>>) dst(%arg9 : memref<64x512xf32, #tpu.memory_space<vmem>>)
      %scan3A_81 = arith.constant 0 : i32
      %scan3A_82 = arith.constant 0 : i32
      %scan3A_83 = arith.constant 64 : i32
      %scan3A_84 = arith.addi %scan3A_82, %scan3A_83 : i32
      %scan3A_85 = arith.constant 1 : i32
      %scan3A_86 = scf.for %scan3A_100 = %scan3A_82 to %scan3A_84 step %scan3A_85 iter_args(%scan3A_101 = %scan3A_81) -> (i32)  : i32 {
        %get3A_102 = arith.index_cast %scan3A_100 : i32 to index
        %get3A_103 = arith.constant 0 : index
        %get3A_104 = tpu.vector_load %arg9[%get3A_102, %get3A_103] {strides = array<i32>} : memref<64x512xf32, #tpu.memory_space<vmem>>, vector<16xf32>,
        %get3A_105 = arith.index_cast %scan3A_100 : i32 to index
        %get3A_106 = arith.constant 16 : index
        %get3A_107 = tpu.vector_load %arg9[%get3A_105, %get3A_106] {strides = array<i32>} : memref<64x512xf32, #tpu.memory_space<vmem>>, vector<16xf32>,
        %get3A_108 = arith.index_cast %scan3A_100 : i32 to index
        %get3A_109 = arith.constant 32 : index
        %get3A_110 = tpu.vector_load %arg9[%get3A_108, %get3A_109] {strides = array<i32>} : memref<64x512xf32, #tpu.memory_space<vmem>>, vector<16xf32>,
        %get3A_111 = arith.index_cast %scan3A_100 : i32 to index
        %get3A_112 = arith.constant 48 : index
        %get3A_113 = tpu.vector_load %arg9[%get3A_111, %get3A_112] {strides = array<i32>} : memref<64x512xf32, #tpu.memory_space<vmem>>, vector<16xf32>,
        %add3A_114 = arith.addf %get3A_104, %get3A_107 : vector<16xf32>
        %add3A_115 = arith.addf %add3A_114, %get3A_110 : vector<16xf32>
        %add3A_116 = arith.addf %add3A_115, %get3A_113 : vector<16xf32>
        %reduce_sum3A = arith.constant true
        %reduce_sum3A_117 = vector.broadcast %reduce_sum3A : i1 to vector<16xi1>
        %reduce_sum3A_118 = tpu.scan <sum>, %add3A_116 masked %reduce_sum3A_117 : vector<16xf32>, vector<16xi1> -> vector<16xf32>
        %reduce_sum3A_119 = vector.extract %reduce_sum3A_118[15] : f32 from vector<16xf32>
        %mul3A_120 = arith.mulf %get3A_104, %get3A_104 : vector<16xf32>
        %mul3A_121 = arith.mulf %get3A_107, %get3A_107 : vector<16xf32>
        %add3A_122 = arith.addf %mul3A_120, %mul3A_121 : vector<16xf32>
        %mul3A_123 = arith.mulf %get3A_110, %get3A_110 : vector<16xf32>
        %add3A_124 = arith.addf %add3A_122, %mul3A_123 : vector<16xf32>
        %mul3A_125 = arith.mulf %get3A_113, %get3A_113 : vector<16xf32>
        %add3A_126 = arith.addf %add3A_124, %mul3A_125 : vector<16xf32>
        %reduce_sum3A_127 = arith.constant true
        %reduce_sum3A_128 = vector.broadcast %reduce_sum3A_127 : i1 to vector<16xi1>
        %reduce_sum3A_129 = tpu.scan <sum>, %add3A_126 masked %reduce_sum3A_128 : vector<16xf32>, vector<16xi1> -> vector<16xf32>
        %reduce_sum3A_130 = vector.extract %reduce_sum3A_129[15] : f32 from vector<16xf32>
        %mul3A_131 = arith.mulf %reduce_sum3A_119, %scan3A : f32
        %mul3A_132 = arith.mulf %reduce_sum3A_130, %scan3A : f32
        %mul3A_133 = arith.mulf %mul3A_131, %mul3A_131 : f32
        %sub3A = arith.subf %mul3A_132, %mul3A_133 : f32
        %broadcast_in_dim3A = vector.broadcast %mul3A_131 : f32 to vector<16xf32>
        %add3A_134 = arith.addf %sub3A, %scan3A_22 : f32
        %broadcast_in_dim3A_135 = vector.broadcast %add3A_134 : f32 to vector<16xf32>
        %bitcast3A = vector.bitcast %broadcast_in_dim3A_135 : vector<16xf32> to vector<16xi32>
        %shift_right_logical3A = arith.constant 1 : i32
        %shift_right_logical3A_136 = vector.broadcast %shift_right_logical3A : i32 to vector<16xi32>
        %shift_right_logical3A_137 = arith.shrui %bitcast3A, %shift_right_logical3A_136 : vector<16xi32>
        %sub3A_138 = arith.constant 1597463007 : i32
        %sub3A_139 = vector.broadcast %sub3A_138 : i32 to vector<16xi32>
        %sub3A_140 = arith.subi %sub3A_139, %shift_right_logical3A_137 : vector<16xi32>
        %bitcast3A_141 = vector.bitcast %sub3A_140 : vector<16xi32> to vector<16xf32>
        %mul3A_142 = arith.constant 5.000000e-01 : f32
        %mul3A_143 = vector.broadcast %mul3A_142 : f32 to vector<16xf32>
        %mul3A_144 = arith.mulf %broadcast_in_dim3A_135, %mul3A_143 : vector<16xf32>
        %mul3A_145 = arith.mulf %mul3A_144, %bitcast3A_141 : vector<16xf32>
        %mul3A_146 = arith.mulf %mul3A_145, %bitcast3A_141 : vector<16xf32>
        %sub3A_147 = arith.constant 1.500000e+00 : f32
        %sub3A_148 = vector.broadcast %sub3A_147 : f32 to vector<16xf32>
        %sub3A_149 = arith.subf %sub3A_148, %mul3A_146 : vector<16xf32>
        %mul3A_150 = arith.mulf %bitcast3A_141, %sub3A_149 : vector<16xf32>
        %sub3A_151 = arith.subf %get3A_104, %broadcast_in_dim3A : vector<16xf32>
        %mul3A_152 = arith.mulf %sub3A_151, %mul3A_150 : vector<16xf32>
        %mul3A_153 = arith.mulf %mul3A_152, %get3A_3 : vector<16xf32>
        %add3A_154 = arith.addf %mul3A_153, %get3A_11 : vector<16xf32>
        %swap3A = arith.index_cast %scan3A_100 : i32 to index
        %swap3A_155 = arith.constant 0 : index
        %swap3A_156 = tpu.vector_load %arg9[%swap3A, %swap3A_155] {strides = array<i32>} : memref<64x512xf32, #tpu.memory_space<vmem>>, vector<16xf32>,
        tpu.vector_store %arg9[%swap3A, %swap3A_155], %add3A_154 {strides = array<i32>} : memref<64x512xf32, #tpu.memory_space<vmem>>, vector<16xf32>,
        %sub3A_157 = arith.subf %get3A_107, %broadcast_in_dim3A : vector<16xf32>
        %mul3A_158 = arith.mulf %sub3A_157, %mul3A_150 : vector<16xf32>
        %mul3A_159 = arith.mulf %mul3A_158, %get3A_5 : vector<16xf32>
        %add3A_160 = arith.addf %mul3A_159, %get3A_13 : vector<16xf32>
        %swap3A_161 = arith.index_cast %scan3A_100 : i32 to index
        %swap3A_162 = arith.constant 16 : index
        %swap3A_163 = tpu.vector_load %arg9[%swap3A_161, %swap3A_162] {strides = array<i32>} : memref<64x512xf32, #tpu.memory_space<vmem>>, vector<16xf32>,
        tpu.vector_store %arg9[%swap3A_161, %swap3A_162], %add3A_160 {strides = array<i32>} : memref<64x512xf32, #tpu.memory_space<vmem>>, vector<16xf32>,
        %sub3A_164 = arith.subf %get3A_110, %broadcast_in_dim3A : vector<16xf32>
        %mul3A_165 = arith.mulf %sub3A_164, %mul3A_150 : vector<16xf32>
        %mul3A_166 = arith.mulf %mul3A_165, %get3A_7 : vector<16xf32>
        %add3A_167 = arith.addf %mul3A_166, %get3A_15 : vector<16xf32>
        %swap3A_168 = arith.index_cast %scan3A_100 : i32 to index
        %swap3A_169 = arith.constant 32 : index
        %swap3A_170 = tpu.vector_load %arg9[%swap3A_168, %swap3A_169] {strides = array<i32>} : memref<64x512xf32, #tpu.memory_space<vmem>>, vector<16xf32>,
        tpu.vector_store %arg9[%swap3A_168, %swap3A_169], %add3A_167 {strides = array<i32>} : memref<64x512xf32, #tpu.memory_space<vmem>>, vector<16xf32>,
        %sub3A_171 = arith.subf %get3A_113, %broadcast_in_dim3A : vector<16xf32>
        %mul3A_172 = arith.mulf %sub3A_171, %mul3A_150 : vector<16xf32>
        %mul3A_173 = arith.mulf %mul3A_172, %get3A_9 : vector<16xf32>
        %add3A_174 = arith.addf %mul3A_173, %get3A_17 : vector<16xf32>
        %swap3A_175 = arith.index_cast %scan3A_100 : i32 to index
        %swap3A_176 = arith.constant 48 : index
        %swap3A_177 = tpu.vector_load %arg9[%swap3A_175, %swap3A_176] {strides = array<i32>} : memref<64x512xf32, #tpu.memory_space<vmem>>, vector<16xf32>,
        tpu.vector_store %arg9[%swap3A_175, %swap3A_176], %add3A_174 {strides = array<i32>} : memref<64x512xf32, #tpu.memory_space<vmem>>, vector<16xf32>,
        %get3A_178 = arith.index_cast %scan3A_100 : i32 to index
        %get3A_179 = arith.constant 64 : index
        %get3A_180 = tpu.vector_load %arg9[%get3A_178, %get3A_179] {strides = array<i32>} : memref<64x512xf32, #tpu.memory_space<vmem>>, vector<16xf32>,
        %get3A_181 = arith.index_cast %scan3A_100 : i32 to index
        %get3A_182 = arith.constant 80 : index
        %get3A_183 = tpu.vector_load %arg9[%get3A_181, %get3A_182] {strides = array<i32>} : memref<64x512xf32, #tpu.memory_space<vmem>>, vector<16xf32>,
        %get3A_184 = arith.index_cast %scan3A_100 : i32 to index
        %get3A_185 = arith.constant 96 : index
        %get3A_186 = tpu.vector_load %arg9[%get3A_184, %get3A_185] {strides = array<i32>} : memref<64x512xf32, #tpu.memory_space<vmem>>, vector<16xf32>,
        %get3A_187 = arith.index_cast %scan3A_100 : i32 to index
        %get3A_188 = arith.constant 112 : index
        %get3A_189 = tpu.vector_load %arg9[%get3A_187, %get3A_188] {strides = array<i32>} : memref<64x512xf32, #tpu.memory_space<vmem>>, vector<16xf32>,
        %add3A_190 = arith.addf %get3A_180, %get3A_183 : vector<16xf32>
        %add3A_191 = arith.addf %add3A_190, %get3A_186 : vector<16xf32>
        %add3A_192 = arith.addf %add3A_191, %get3A_189 : vector<16xf32>
        %reduce_sum3A_193 = arith.constant true
        %reduce_sum3A_194 = vector.broadcast %reduce_sum3A_193 : i1 to vector<16xi1>
        %reduce_sum3A_195 = tpu.scan <sum>, %add3A_192 masked %reduce_sum3A_194 : vector<16xf32>, vector<16xi1> -> vector<16xf32>
        %reduce_sum3A_196 = vector.extract %reduce_sum3A_195[15] : f32 from vector<16xf32>
        %mul3A_197 = arith.mulf %get3A_180, %get3A_180 : vector<16xf32>
        %mul3A_198 = arith.mulf %get3A_183, %get3A_183 : vector<16xf32>
        %add3A_199 = arith.addf %mul3A_197, %mul3A_198 : vector<16xf32>
        %mul3A_200 = arith.mulf %get3A_186, %get3A_186 : vector<16xf32>
        %add3A_201 = arith.addf %add3A_199, %mul3A_200 : vector<16xf32>
        %mul3A_202 = arith.mulf %get3A_189, %get3A_189 : vector<16xf32>
        %add3A_203 = arith.addf %add3A_201, %mul3A_202 : vector<16xf32>
        %reduce_sum3A_204 = arith.constant true
        %reduce_sum3A_205 = vector.broadcast %reduce_sum3A_204 : i1 to vector<16xi1>
        %reduce_sum3A_206 = tpu.scan <sum>, %add3A_203 masked %reduce_sum3A_205 : vector<16xf32>, vector<16xi1> -> vector<16xf32>
        %reduce_sum3A_207 = vector.extract %reduce_sum3A_206[15] : f32 from vector<16xf32>
        %mul3A_208 = arith.mulf %reduce_sum3A_196, %scan3A : f32
        %mul3A_209 = arith.mulf %reduce_sum3A_207, %scan3A : f32
        %mul3A_210 = arith.mulf %mul3A_208, %mul3A_208 : f32
        %sub3A_211 = arith.subf %mul3A_209, %mul3A_210 : f32
        %broadcast_in_dim3A_212 = vector.broadcast %mul3A_208 : f32 to vector<16xf32>
        %add3A_213 = arith.addf %sub3A_211, %scan3A_22 : f32
        %broadcast_in_dim3A_214 = vector.broadcast %add3A_213 : f32 to vector<16xf32>
        %bitcast3A_215 = vector.bitcast %broadcast_in_dim3A_214 : vector<16xf32> to vector<16xi32>
        %shift_right_logical3A_216 = arith.constant 1 : i32
        %shift_right_logical3A_217 = vector.broadcast %shift_right_logical3A_216 : i32 to vector<16xi32>
        %shift_right_logical3A_218 = arith.shrui %bitcast3A_215, %shift_right_logical3A_217 : vector<16xi32>
        %sub3A_219 = arith.constant 1597463007 : i32
        %sub3A_220 = vector.broadcast %sub3A_219 : i32 to vector<16xi32>
        %sub3A_221 = arith.subi %sub3A_220, %shift_right_logical3A_218 : vector<16xi32>
        %bitcast3A_222 = vector.bitcast %sub3A_221 : vector<16xi32> to vector<16xf32>
        %mul3A_223 = arith.constant 5.000000e-01 : f32
        %mul3A_224 = vector.broadcast %mul3A_223 : f32 to vector<16xf32>
        %mul3A_225 = arith.mulf %broadcast_in_dim3A_214, %mul3A_224 : vector<16xf32>
        %mul3A_226 = arith.mulf %mul3A_225, %bitcast3A_222 : vector<16xf32>
        %mul3A_227 = arith.mulf %mul3A_226, %bitcast3A_222 : vector<16xf32>
        %sub3A_228 = arith.constant 1.500000e+00 : f32
        %sub3A_229 = vector.broadcast %sub3A_228 : f32 to vector<16xf32>
        %sub3A_230 = arith.subf %sub3A_229, %mul3A_227 : vector<16xf32>
        %mul3A_231 = arith.mulf %bitcast3A_222, %sub3A_230 : vector<16xf32>
        %sub3A_232 = arith.subf %get3A_180, %broadcast_in_dim3A_212 : vector<16xf32>
        %mul3A_233 = arith.mulf %sub3A_232, %mul3A_231 : vector<16xf32>
        %mul3A_234 = arith.mulf %mul3A_233, %get3A_3 : vector<16xf32>
        %add3A_235 = arith.addf %mul3A_234, %get3A_11 : vector<16xf32>
        %swap3A_236 = arith.index_cast %scan3A_100 : i32 to index
        %swap3A_237 = arith.constant 64 : index
        %swap3A_238 = tpu.vector_load %arg9[%swap3A_236, %swap3A_237] {strides = array<i32>} : memref<64x512xf32, #tpu.memory_space<vmem>>, vector<16xf32>,
        tpu.vector_store %arg9[%swap3A_236, %swap3A_237], %add3A_235 {strides = array<i32>} : memref<64x512xf32, #tpu.memory_space<vmem>>, vector<16xf32>,
        %sub3A_239 = arith.subf %get3A_183, %broadcast_in_dim3A_212 : vector<16xf32>
        %mul3A_240 = arith.mulf %sub3A_239, %mul3A_231 : vector<16xf32>
        %mul3A_241 = arith.mulf %mul3A_240, %get3A_5 : vector<16xf32>
        %add3A_242 = arith.addf %mul3A_241, %get3A_13 : vector<16xf32>
        %swap3A_243 = arith.index_cast %scan3A_100 : i32 to index
        %swap3A_244 = arith.constant 80 : index
        %swap3A_245 = tpu.vector_load %arg9[%swap3A_243, %swap3A_244] {strides = array<i32>} : memref<64x512xf32, #tpu.memory_space<vmem>>, vector<16xf32>,
        tpu.vector_store %arg9[%swap3A_243, %swap3A_244], %add3A_242 {strides = array<i32>} : memref<64x512xf32, #tpu.memory_space<vmem>>, vector<16xf32>,
        %sub3A_246 = arith.subf %get3A_186, %broadcast_in_dim3A_212 : vector<16xf32>
        %mul3A_247 = arith.mulf %sub3A_246, %mul3A_231 : vector<16xf32>
        %mul3A_248 = arith.mulf %mul3A_247, %get3A_7 : vector<16xf32>
        %add3A_249 = arith.addf %mul3A_248, %get3A_15 : vector<16xf32>
        %swap3A_250 = arith.index_cast %scan3A_100 : i32 to index
        %swap3A_251 = arith.constant 96 : index
        %swap3A_252 = tpu.vector_load %arg9[%swap3A_250, %swap3A_251] {strides = array<i32>} : memref<64x512xf32, #tpu.memory_space<vmem>>, vector<16xf32>,
        tpu.vector_store %arg9[%swap3A_250, %swap3A_251], %add3A_249 {strides = array<i32>} : memref<64x512xf32, #tpu.memory_space<vmem>>, vector<16xf32>,
        %sub3A_253 = arith.subf %get3A_189, %broadcast_in_dim3A_212 : vector<16xf32>
        %mul3A_254 = arith.mulf %sub3A_253, %mul3A_231 : vector<16xf32>
        %mul3A_255 = arith.mulf %mul3A_254, %get3A_9 : vector<16xf32>
        %add3A_256 = arith.addf %mul3A_255, %get3A_17 : vector<16xf32>
        %swap3A_257 = arith.index_cast %scan3A_100 : i32 to index
        %swap3A_258 = arith.constant 112 : index
        %swap3A_259 = tpu.vector_load %arg9[%swap3A_257, %swap3A_258] {strides = array<i32>} : memref<64x512xf32, #tpu.memory_space<vmem>>, vector<16xf32>,
        tpu.vector_store %arg9[%swap3A_257, %swap3A_258], %add3A_256 {strides = array<i32>} : memref<64x512xf32, #tpu.memory_space<vmem>>, vector<16xf32>,
        %get3A_260 = arith.index_cast %scan3A_100 : i32 to index
        %get3A_261 = arith.constant 128 : index
        %get3A_262 = tpu.vector_load %arg9[%get3A_260, %get3A_261] {strides = array<i32>} : memref<64x512xf32, #tpu.memory_space<vmem>>, vector<16xf32>,
        %get3A_263 = arith.index_cast %scan3A_100 : i32 to index
        %get3A_264 = arith.constant 144 : index
        %get3A_265 = tpu.vector_load %arg9[%get3A_263, %get3A_264] {strides = array<i32>} : memref<64x512xf32, #tpu.memory_space<vmem>>, vector<16xf32>,
        %get3A_266 = arith.index_cast %scan3A_100 : i32 to index
        %get3A_267 = arith.constant 160 : index
        %get3A_268 = tpu.vector_load %arg9[%get3A_266, %get3A_267] {strides = array<i32>} : memref<64x512xf32, #tpu.memory_space<vmem>>, vector<16xf32>,
        %get3A_269 = arith.index_cast %scan3A_100 : i32 to index
        %get3A_270 = arith.constant 176 : index
        %get3A_271 = tpu.vector_load %arg9[%get3A_269, %get3A_270] {strides = array<i32>} : memref<64x512xf32, #tpu.memory_space<vmem>>, vector<16xf32>,
        %add3A_272 = arith.addf %get3A_262, %get3A_265 : vector<16xf32>
        %add3A_273 = arith.addf %add3A_272, %get3A_268 : vector<16xf32>
        %add3A_274 = arith.addf %add3A_273, %get3A_271 : vector<16xf32>
        %reduce_sum3A_275 = arith.constant true
        %reduce_sum3A_276 = vector.broadcast %reduce_sum3A_275 : i1 to vector<16xi1>
        %reduce_sum3A_277 = tpu.scan <sum>, %add3A_274 masked %reduce_sum3A_276 : vector<16xf32>, vector<16xi1> -> vector<16xf32>
        %reduce_sum3A_278 = vector.extract %reduce_sum3A_277[15] : f32 from vector<16xf32>
        %mul3A_279 = arith.mulf %get3A_262, %get3A_262 : vector<16xf32>
        %mul3A_280 = arith.mulf %get3A_265, %get3A_265 : vector<16xf32>
        %add3A_281 = arith.addf %mul3A_279, %mul3A_280 : vector<16xf32>
        %mul3A_282 = arith.mulf %get3A_268, %get3A_268 : vector<16xf32>
        %add3A_283 = arith.addf %add3A_281, %mul3A_282 : vector<16xf32>
        %mul3A_284 = arith.mulf %get3A_271, %get3A_271 : vector<16xf32>
        %add3A_285 = arith.addf %add3A_283, %mul3A_284 : vector<16xf32>
        %reduce_sum3A_286 = arith.constant true
        %reduce_sum3A_287 = vector.broadcast %reduce_sum3A_286 : i1 to vector<16xi1>
        %reduce_sum3A_288 = tpu.scan <sum>, %add3A_285 masked %reduce_sum3A_287 : vector<16xf32>, vector<16xi1> -> vector<16xf32>
        %reduce_sum3A_289 = vector.extract %reduce_sum3A_288[15] : f32 from vector<16xf32>
        %mul3A_290 = arith.mulf %reduce_sum3A_278, %scan3A : f32
        %mul3A_291 = arith.mulf %reduce_sum3A_289, %scan3A : f32
        %mul3A_292 = arith.mulf %mul3A_290, %mul3A_290 : f32
        %sub3A_293 = arith.subf %mul3A_291, %mul3A_292 : f32
        %broadcast_in_dim3A_294 = vector.broadcast %mul3A_290 : f32 to vector<16xf32>
        %add3A_295 = arith.addf %sub3A_293, %scan3A_22 : f32
        %broadcast_in_dim3A_296 = vector.broadcast %add3A_295 : f32 to vector<16xf32>
        %bitcast3A_297 = vector.bitcast %broadcast_in_dim3A_296 : vector<16xf32> to vector<16xi32>
        %shift_right_logical3A_298 = arith.constant 1 : i32
        %shift_right_logical3A_299 = vector.broadcast %shift_right_logical3A_298 : i32 to vector<16xi32>
        %shift_right_logical3A_300 = arith.shrui %bitcast3A_297, %shift_right_logical3A_299 : vector<16xi32>
        %sub3A_301 = arith.constant 1597463007 : i32
        %sub3A_302 = vector.broadcast %sub3A_301 : i32 to vector<16xi32>
        %sub3A_303 = arith.subi %sub3A_302, %shift_right_logical3A_300 : vector<16xi32>
        %bitcast3A_304 = vector.bitcast %sub3A_303 : vector<16xi32> to vector<16xf32>
        %mul3A_305 = arith.constant 5.000000e-01 : f32
        %mul3A_306 = vector.broadcast %mul3A_305 : f32 to vector<16xf32>
        %mul3A_307 = arith.mulf %broadcast_in_dim3A_296, %mul3A_306 : vector<16xf32>
        %mul3A_308 = arith.mulf %mul3A_307, %bitcast3A_304 : vector<16xf32>
        %mul3A_309 = arith.mulf %mul3A_308, %bitcast3A_304 : vector<16xf32>
        %sub3A_310 = arith.constant 1.500000e+00 : f32
        %sub3A_311 = vector.broadcast %sub3A_310 : f32 to vector<16xf32>
        %sub3A_312 = arith.subf %sub3A_311, %mul3A_309 : vector<16xf32>
        %mul3A_313 = arith.mulf %bitcast3A_304, %sub3A_312 : vector<16xf32>
        %sub3A_314 = arith.subf %get3A_262, %broadcast_in_dim3A_294 : vector<16xf32>
        %mul3A_315 = arith.mulf %sub3A_314, %mul3A_313 : vector<16xf32>
        %mul3A_316 = arith.mulf %mul3A_315, %get3A_3 : vector<16xf32>
        %add3A_317 = arith.addf %mul3A_316, %get3A_11 : vector<16xf32>
        %swap3A_318 = arith.index_cast %scan3A_100 : i32 to index
        %swap3A_319 = arith.constant 128 : index
        %swap3A_320 = tpu.vector_load %arg9[%swap3A_318, %swap3A_319] {strides = array<i32>} : memref<64x512xf32, #tpu.memory_space<vmem>>, vector<16xf32>,
        tpu.vector_store %arg9[%swap3A_318, %swap3A_319], %add3A_317 {strides = array<i32>} : memref<64x512xf32, #tpu.memory_space<vmem>>, vector<16xf32>,
        %sub3A_321 = arith.subf %get3A_265, %broadcast_in_dim3A_294 : vector<16xf32>
        %mul3A_322 = arith.mulf %sub3A_321, %mul3A_313 : vector<16xf32>
        %mul3A_323 = arith.mulf %mul3A_322, %get3A_5 : vector<16xf32>
        %add3A_324 = arith.addf %mul3A_323, %get3A_13 : vector<16xf32>
        %swap3A_325 = arith.index_cast %scan3A_100 : i32 to index
        %swap3A_326 = arith.constant 144 : index
        %swap3A_327 = tpu.vector_load %arg9[%swap3A_325, %swap3A_326] {strides = array<i32>} : memref<64x512xf32, #tpu.memory_space<vmem>>, vector<16xf32>,
        tpu.vector_store %arg9[%swap3A_325, %swap3A_326], %add3A_324 {strides = array<i32>} : memref<64x512xf32, #tpu.memory_space<vmem>>, vector<16xf32>,
        %sub3A_328 = arith.subf %get3A_268, %broadcast_in_dim3A_294 : vector<16xf32>
        %mul3A_329 = arith.mulf %sub3A_328, %mul3A_313 : vector<16xf32>
        %mul3A_330 = arith.mulf %mul3A_329, %get3A_7 : vector<16xf32>
        %add3A_331 = arith.addf %mul3A_330, %get3A_15 : vector<16xf32>
        %swap3A_332 = arith.index_cast %scan3A_100 : i32 to index
        %swap3A_333 = arith.constant 160 : index
        %swap3A_334 = tpu.vector_load %arg9[%swap3A_332, %swap3A_333] {strides = array<i32>} : memref<64x512xf32, #tpu.memory_space<vmem>>, vector<16xf32>,
        tpu.vector_store %arg9[%swap3A_332, %swap3A_333], %add3A_331 {strides = array<i32>} : memref<64x512xf32, #tpu.memory_space<vmem>>, vector<16xf32>,
        %sub3A_335 = arith.subf %get3A_271, %broadcast_in_dim3A_294 : vector<16xf32>
        %mul3A_336 = arith.mulf %sub3A_335, %mul3A_313 : vector<16xf32>
        %mul3A_337 = arith.mulf %mul3A_336, %get3A_9 : vector<16xf32>
        %add3A_338 = arith.addf %mul3A_337, %get3A_17 : vector<16xf32>
        %swap3A_339 = arith.index_cast %scan3A_100 : i32 to index
        %swap3A_340 = arith.constant 176 : index
        %swap3A_341 = tpu.vector_load %arg9[%swap3A_339, %swap3A_340] {strides = array<i32>} : memref<64x512xf32, #tpu.memory_space<vmem>>, vector<16xf32>,
        tpu.vector_store %arg9[%swap3A_339, %swap3A_340], %add3A_338 {strides = array<i32>} : memref<64x512xf32, #tpu.memory_space<vmem>>, vector<16xf32>,
        %get3A_342 = arith.index_cast %scan3A_100 : i32 to index
        %get3A_343 = arith.constant 192 : index
        %get3A_344 = tpu.vector_load %arg9[%get3A_342, %get3A_343] {strides = array<i32>} : memref<64x512xf32, #tpu.memory_space<vmem>>, vector<16xf32>,
        %get3A_345 = arith.index_cast %scan3A_100 : i32 to index
        %get3A_346 = arith.constant 208 : index
        %get3A_347 = tpu.vector_load %arg9[%get3A_345, %get3A_346] {strides = array<i32>} : memref<64x512xf32, #tpu.memory_space<vmem>>, vector<16xf32>,
        %get3A_348 = arith.index_cast %scan3A_100 : i32 to index
        %get3A_349 = arith.constant 224 : index
        %get3A_350 = tpu.vector_load %arg9[%get3A_348, %get3A_349] {strides = array<i32>} : memref<64x512xf32, #tpu.memory_space<vmem>>, vector<16xf32>,
        %get3A_351 = arith.index_cast %scan3A_100 : i32 to index
        %get3A_352 = arith.constant 240 : index
        %get3A_353 = tpu.vector_load %arg9[%get3A_351, %get3A_352] {strides = array<i32>} : memref<64x512xf32, #tpu.memory_space<vmem>>, vector<16xf32>,
        %add3A_354 = arith.addf %get3A_344, %get3A_347 : vector<16xf32>
        %add3A_355 = arith.addf %add3A_354, %get3A_350 : vector<16xf32>
        %add3A_356 = arith.addf %add3A_355, %get3A_353 : vector<16xf32>
        %reduce_sum3A_357 = arith.constant true
        %reduce_sum3A_358 = vector.broadcast %reduce_sum3A_357 : i1 to vector<16xi1>
        %reduce_sum3A_359 = tpu.scan <sum>, %add3A_356 masked %reduce_sum3A_358 : vector<16xf32>, vector<16xi1> -> vector<16xf32>
        %reduce_sum3A_360 = vector.extract %reduce_sum3A_359[15] : f32 from vector<16xf32>
        %mul3A_361 = arith.mulf %get3A_344, %get3A_344 : vector<16xf32>
        %mul3A_362 = arith.mulf %get3A_347, %get3A_347 : vector<16xf32>
        %add3A_363 = arith.addf %mul3A_361, %mul3A_362 : vector<16xf32>
        %mul3A_364 = arith.mulf %get3A_350, %get3A_350 : vector<16xf32>
        %add3A_365 = arith.addf %add3A_363, %mul3A_364 : vector<16xf32>
        %mul3A_366 = arith.mulf %get3A_353, %get3A_353 : vector<16xf32>
        %add3A_367 = arith.addf %add3A_365, %mul3A_366 : vector<16xf32>
        %reduce_sum3A_368 = arith.constant true
        %reduce_sum3A_369 = vector.broadcast %reduce_sum3A_368 : i1 to vector<16xi1>
        %reduce_sum3A_370 = tpu.scan <sum>, %add3A_367 masked %reduce_sum3A_369 : vector<16xf32>, vector<16xi1> -> vector<16xf32>
        %reduce_sum3A_371 = vector.extract %reduce_sum3A_370[15] : f32 from vector<16xf32>
        %mul3A_372 = arith.mulf %reduce_sum3A_360, %scan3A : f32
        %mul3A_373 = arith.mulf %reduce_sum3A_371, %scan3A : f32
        %mul3A_374 = arith.mulf %mul3A_372, %mul3A_372 : f32
        %sub3A_375 = arith.subf %mul3A_373, %mul3A_374 : f32
        %broadcast_in_dim3A_376 = vector.broadcast %mul3A_372 : f32 to vector<16xf32>
        %add3A_377 = arith.addf %sub3A_375, %scan3A_22 : f32
        %broadcast_in_dim3A_378 = vector.broadcast %add3A_377 : f32 to vector<16xf32>
        %bitcast3A_379 = vector.bitcast %broadcast_in_dim3A_378 : vector<16xf32> to vector<16xi32>
        %shift_right_logical3A_380 = arith.constant 1 : i32
        %shift_right_logical3A_381 = vector.broadcast %shift_right_logical3A_380 : i32 to vector<16xi32>
        %shift_right_logical3A_382 = arith.shrui %bitcast3A_379, %shift_right_logical3A_381 : vector<16xi32>
        %sub3A_383 = arith.constant 1597463007 : i32
        %sub3A_384 = vector.broadcast %sub3A_383 : i32 to vector<16xi32>
        %sub3A_385 = arith.subi %sub3A_384, %shift_right_logical3A_382 : vector<16xi32>
        %bitcast3A_386 = vector.bitcast %sub3A_385 : vector<16xi32> to vector<16xf32>
        %mul3A_387 = arith.constant 5.000000e-01 : f32
        %mul3A_388 = vector.broadcast %mul3A_387 : f32 to vector<16xf32>
        %mul3A_389 = arith.mulf %broadcast_in_dim3A_378, %mul3A_388 : vector<16xf32>
        %mul3A_390 = arith.mulf %mul3A_389, %bitcast3A_386 : vector<16xf32>
        %mul3A_391 = arith.mulf %mul3A_390, %bitcast3A_386 : vector<16xf32>
        %sub3A_392 = arith.constant 1.500000e+00 : f32
        %sub3A_393 = vector.broadcast %sub3A_392 : f32 to vector<16xf32>
        %sub3A_394 = arith.subf %sub3A_393, %mul3A_391 : vector<16xf32>
        %mul3A_395 = arith.mulf %bitcast3A_386, %sub3A_394 : vector<16xf32>
        %sub3A_396 = arith.subf %get3A_344, %broadcast_in_dim3A_376 : vector<16xf32>
        %mul3A_397 = arith.mulf %sub3A_396, %mul3A_395 : vector<16xf32>
        %mul3A_398 = arith.mulf %mul3A_397, %get3A_3 : vector<16xf32>
        %add3A_399 = arith.addf %mul3A_398, %get3A_11 : vector<16xf32>
        %swap3A_400 = arith.index_cast %scan3A_100 : i32 to index
        %swap3A_401 = arith.constant 192 : index
        %swap3A_402 = tpu.vector_load %arg9[%swap3A_400, %swap3A_401] {strides = array<i32>} : memref<64x512xf32, #tpu.memory_space<vmem>>, vector<16xf32>,
        tpu.vector_store %arg9[%swap3A_400, %swap3A_401], %add3A_399 {strides = array<i32>} : memref<64x512xf32, #tpu.memory_space<vmem>>, vector<16xf32>,
        %sub3A_403 = arith.subf %get3A_347, %broadcast_in_dim3A_376 : vector<16xf32>
        %mul3A_404 = arith.mulf %sub3A_403, %mul3A_395 : vector<16xf32>
        %mul3A_405 = arith.mulf %mul3A_404, %get3A_5 : vector<16xf32>
        %add3A_406 = arith.addf %mul3A_405, %get3A_13 : vector<16xf32>
        %swap3A_407 = arith.index_cast %scan3A_100 : i32 to index
        %swap3A_408 = arith.constant 208 : index
        %swap3A_409 = tpu.vector_load %arg9[%swap3A_407, %swap3A_408] {strides = array<i32>} : memref<64x512xf32, #tpu.memory_space<vmem>>, vector<16xf32>,
        tpu.vector_store %arg9[%swap3A_407, %swap3A_408], %add3A_406 {strides = array<i32>} : memref<64x512xf32, #tpu.memory_space<vmem>>, vector<16xf32>,
        %sub3A_410 = arith.subf %get3A_350, %broadcast_in_dim3A_376 : vector<16xf32>
        %mul3A_411 = arith.mulf %sub3A_410, %mul3A_395 : vector<16xf32>
        %mul3A_412 = arith.mulf %mul3A_411, %get3A_7 : vector<16xf32>
        %add3A_413 = arith.addf %mul3A_412, %get3A_15 : vector<16xf32>
        %swap3A_414 = arith.index_cast %scan3A_100 : i32 to index
        %swap3A_415 = arith.constant 224 : index
        %swap3A_416 = tpu.vector_load %arg9[%swap3A_414, %swap3A_415] {strides = array<i32>} : memref<64x512xf32, #tpu.memory_space<vmem>>, vector<16xf32>,
        tpu.vector_store %arg9[%swap3A_414, %swap3A_415], %add3A_413 {strides = array<i32>} : memref<64x512xf32, #tpu.memory_space<vmem>>, vector<16xf32>,
        %sub3A_417 = arith.subf %get3A_353, %broadcast_in_dim3A_376 : vector<16xf32>
        %mul3A_418 = arith.mulf %sub3A_417, %mul3A_395 : vector<16xf32>
        %mul3A_419 = arith.mulf %mul3A_418, %get3A_9 : vector<16xf32>
        %add3A_420 = arith.addf %mul3A_419, %get3A_17 : vector<16xf32>
        %swap3A_421 = arith.index_cast %scan3A_100 : i32 to index
        %swap3A_422 = arith.constant 240 : index
        %swap3A_423 = tpu.vector_load %arg9[%swap3A_421, %swap3A_422] {strides = array<i32>} : memref<64x512xf32, #tpu.memory_space<vmem>>, vector<16xf32>,
        tpu.vector_store %arg9[%swap3A_421, %swap3A_422], %add3A_420 {strides = array<i32>} : memref<64x512xf32, #tpu.memory_space<vmem>>, vector<16xf32>,
        %get3A_424 = arith.index_cast %scan3A_100 : i32 to index
        %get3A_425 = arith.constant 256 : index
        %get3A_426 = tpu.vector_load %arg9[%get3A_424, %get3A_425] {strides = array<i32>} : memref<64x512xf32, #tpu.memory_space<vmem>>, vector<16xf32>,
        %get3A_427 = arith.index_cast %scan3A_100 : i32 to index
        %get3A_428 = arith.constant 272 : index
        %get3A_429 = tpu.vector_load %arg9[%get3A_427, %get3A_428] {strides = array<i32>} : memref<64x512xf32, #tpu.memory_space<vmem>>, vector<16xf32>,
        %get3A_430 = arith.index_cast %scan3A_100 : i32 to index
        %get3A_431 = arith.constant 288 : index
        %get3A_432 = tpu.vector_load %arg9[%get3A_430, %get3A_431] {strides = array<i32>} : memref<64x512xf32, #tpu.memory_space<vmem>>, vector<16xf32>,
        %get3A_433 = arith.index_cast %scan3A_100 : i32 to index
        %get3A_434 = arith.constant 304 : index
        %get3A_435 = tpu.vector_load %arg9[%get3A_433, %get3A_434] {strides = array<i32>} : memref<64x512xf32, #tpu.memory_space<vmem>>, vector<16xf32>,
        %add3A_436 = arith.addf %get3A_426, %get3A_429 : vector<16xf32>
        %add3A_437 = arith.addf %add3A_436, %get3A_432 : vector<16xf32>
        %add3A_438 = arith.addf %add3A_437, %get3A_435 : vector<16xf32>
        %reduce_sum3A_439 = arith.constant true
        %reduce_sum3A_440 = vector.broadcast %reduce_sum3A_439 : i1 to vector<16xi1>
        %reduce_sum3A_441 = tpu.scan <sum>, %add3A_438 masked %reduce_sum3A_440 : vector<16xf32>, vector<16xi1> -> vector<16xf32>
        %reduce_sum3A_442 = vector.extract %reduce_sum3A_441[15] : f32 from vector<16xf32>
        %mul3A_443 = arith.mulf %get3A_426, %get3A_426 : vector<16xf32>
        %mul3A_444 = arith.mulf %get3A_429, %get3A_429 : vector<16xf32>
        %add3A_445 = arith.addf %mul3A_443, %mul3A_444 : vector<16xf32>
        %mul3A_446 = arith.mulf %get3A_432, %get3A_432 : vector<16xf32>
        %add3A_447 = arith.addf %add3A_445, %mul3A_446 : vector<16xf32>
        %mul3A_448 = arith.mulf %get3A_435, %get3A_435 : vector<16xf32>
        %add3A_449 = arith.addf %add3A_447, %mul3A_448 : vector<16xf32>
        %reduce_sum3A_450 = arith.constant true
        %reduce_sum3A_451 = vector.broadcast %reduce_sum3A_450 : i1 to vector<16xi1>
        %reduce_sum3A_452 = tpu.scan <sum>, %add3A_449 masked %reduce_sum3A_451 : vector<16xf32>, vector<16xi1> -> vector<16xf32>
        %reduce_sum3A_453 = vector.extract %reduce_sum3A_452[15] : f32 from vector<16xf32>
        %mul3A_454 = arith.mulf %reduce_sum3A_442, %scan3A : f32
        %mul3A_455 = arith.mulf %reduce_sum3A_453, %scan3A : f32
        %mul3A_456 = arith.mulf %mul3A_454, %mul3A_454 : f32
        %sub3A_457 = arith.subf %mul3A_455, %mul3A_456 : f32
        %broadcast_in_dim3A_458 = vector.broadcast %mul3A_454 : f32 to vector<16xf32>
        %add3A_459 = arith.addf %sub3A_457, %scan3A_22 : f32
        %broadcast_in_dim3A_460 = vector.broadcast %add3A_459 : f32 to vector<16xf32>
        %bitcast3A_461 = vector.bitcast %broadcast_in_dim3A_460 : vector<16xf32> to vector<16xi32>
        %shift_right_logical3A_462 = arith.constant 1 : i32
        %shift_right_logical3A_463 = vector.broadcast %shift_right_logical3A_462 : i32 to vector<16xi32>
        %shift_right_logical3A_464 = arith.shrui %bitcast3A_461, %shift_right_logical3A_463 : vector<16xi32>
        %sub3A_465 = arith.constant 1597463007 : i32
        %sub3A_466 = vector.broadcast %sub3A_465 : i32 to vector<16xi32>
        %sub3A_467 = arith.subi %sub3A_466, %shift_right_logical3A_464 : vector<16xi32>
        %bitcast3A_468 = vector.bitcast %sub3A_467 : vector<16xi32> to vector<16xf32>
        %mul3A_469 = arith.constant 5.000000e-01 : f32
        %mul3A_470 = vector.broadcast %mul3A_469 : f32 to vector<16xf32>
        %mul3A_471 = arith.mulf %broadcast_in_dim3A_460, %mul3A_470 : vector<16xf32>
        %mul3A_472 = arith.mulf %mul3A_471, %bitcast3A_468 : vector<16xf32>
        %mul3A_473 = arith.mulf %mul3A_472, %bitcast3A_468 : vector<16xf32>
        %sub3A_474 = arith.constant 1.500000e+00 : f32
        %sub3A_475 = vector.broadcast %sub3A_474 : f32 to vector<16xf32>
        %sub3A_476 = arith.subf %sub3A_475, %mul3A_473 : vector<16xf32>
        %mul3A_477 = arith.mulf %bitcast3A_468, %sub3A_476 : vector<16xf32>
        %sub3A_478 = arith.subf %get3A_426, %broadcast_in_dim3A_458 : vector<16xf32>
        %mul3A_479 = arith.mulf %sub3A_478, %mul3A_477 : vector<16xf32>
        %mul3A_480 = arith.mulf %mul3A_479, %get3A_3 : vector<16xf32>
        %add3A_481 = arith.addf %mul3A_480, %get3A_11 : vector<16xf32>
        %swap3A_482 = arith.index_cast %scan3A_100 : i32 to index
        %swap3A_483 = arith.constant 256 : index
        %swap3A_484 = tpu.vector_load %arg9[%swap3A_482, %swap3A_483] {strides = array<i32>} : memref<64x512xf32, #tpu.memory_space<vmem>>, vector<16xf32>,
        tpu.vector_store %arg9[%swap3A_482, %swap3A_483], %add3A_481 {strides = array<i32>} : memref<64x512xf32, #tpu.memory_space<vmem>>, vector<16xf32>,
        %sub3A_485 = arith.subf %get3A_429, %broadcast_in_dim3A_458 : vector<16xf32>
        %mul3A_486 = arith.mulf %sub3A_485, %mul3A_477 : vector<16xf32>
        %mul3A_487 = arith.mulf %mul3A_486, %get3A_5 : vector<16xf32>
        %add3A_488 = arith.addf %mul3A_487, %get3A_13 : vector<16xf32>
        %swap3A_489 = arith.index_cast %scan3A_100 : i32 to index
        %swap3A_490 = arith.constant 272 : index
        %swap3A_491 = tpu.vector_load %arg9[%swap3A_489, %swap3A_490] {strides = array<i32>} : memref<64x512xf32, #tpu.memory_space<vmem>>, vector<16xf32>,
        tpu.vector_store %arg9[%swap3A_489, %swap3A_490], %add3A_488 {strides = array<i32>} : memref<64x512xf32, #tpu.memory_space<vmem>>, vector<16xf32>,
        %sub3A_492 = arith.subf %get3A_432, %broadcast_in_dim3A_458 : vector<16xf32>
        %mul3A_493 = arith.mulf %sub3A_492, %mul3A_477 : vector<16xf32>
        %mul3A_494 = arith.mulf %mul3A_493, %get3A_7 : vector<16xf32>
        %add3A_495 = arith.addf %mul3A_494, %get3A_15 : vector<16xf32>
        %swap3A_496 = arith.index_cast %scan3A_100 : i32 to index
        %swap3A_497 = arith.constant 288 : index
        %swap3A_498 = tpu.vector_load %arg9[%swap3A_496, %swap3A_497] {strides = array<i32>} : memref<64x512xf32, #tpu.memory_space<vmem>>, vector<16xf32>,
        tpu.vector_store %arg9[%swap3A_496, %swap3A_497], %add3A_495 {strides = array<i32>} : memref<64x512xf32, #tpu.memory_space<vmem>>, vector<16xf32>,
        %sub3A_499 = arith.subf %get3A_435, %broadcast_in_dim3A_458 : vector<16xf32>
        %mul3A_500 = arith.mulf %sub3A_499, %mul3A_477 : vector<16xf32>
        %mul3A_501 = arith.mulf %mul3A_500, %get3A_9 : vector<16xf32>
        %add3A_502 = arith.addf %mul3A_501, %get3A_17 : vector<16xf32>
        %swap3A_503 = arith.index_cast %scan3A_100 : i32 to index
        %swap3A_504 = arith.constant 304 : index
        %swap3A_505 = tpu.vector_load %arg9[%swap3A_503, %swap3A_504] {strides = array<i32>} : memref<64x512xf32, #tpu.memory_space<vmem>>, vector<16xf32>,
        tpu.vector_store %arg9[%swap3A_503, %swap3A_504], %add3A_502 {strides = array<i32>} : memref<64x512xf32, #tpu.memory_space<vmem>>, vector<16xf32>,
        %get3A_506 = arith.index_cast %scan3A_100 : i32 to index
        %get3A_507 = arith.constant 320 : index
        %get3A_508 = tpu.vector_load %arg9[%get3A_506, %get3A_507] {strides = array<i32>} : memref<64x512xf32, #tpu.memory_space<vmem>>, vector<16xf32>,
        %get3A_509 = arith.index_cast %scan3A_100 : i32 to index
        %get3A_510 = arith.constant 336 : index
        %get3A_511 = tpu.vector_load %arg9[%get3A_509, %get3A_510] {strides = array<i32>} : memref<64x512xf32, #tpu.memory_space<vmem>>, vector<16xf32>,
        %get3A_512 = arith.index_cast %scan3A_100 : i32 to index
        %get3A_513 = arith.constant 352 : index
        %get3A_514 = tpu.vector_load %arg9[%get3A_512, %get3A_513] {strides = array<i32>} : memref<64x512xf32, #tpu.memory_space<vmem>>, vector<16xf32>,
        %get3A_515 = arith.index_cast %scan3A_100 : i32 to index
        %get3A_516 = arith.constant 368 : index
        %get3A_517 = tpu.vector_load %arg9[%get3A_515, %get3A_516] {strides = array<i32>} : memref<64x512xf32, #tpu.memory_space<vmem>>, vector<16xf32>,
        %add3A_518 = arith.addf %get3A_508, %get3A_511 : vector<16xf32>
        %add3A_519 = arith.addf %add3A_518, %get3A_514 : vector<16xf32>
        %add3A_520 = arith.addf %add3A_519, %get3A_517 : vector<16xf32>
        %reduce_sum3A_521 = arith.constant true
        %reduce_sum3A_522 = vector.broadcast %reduce_sum3A_521 : i1 to vector<16xi1>
        %reduce_sum3A_523 = tpu.scan <sum>, %add3A_520 masked %reduce_sum3A_522 : vector<16xf32>, vector<16xi1> -> vector<16xf32>
        %reduce_sum3A_524 = vector.extract %reduce_sum3A_523[15] : f32 from vector<16xf32>
        %mul3A_525 = arith.mulf %get3A_508, %get3A_508 : vector<16xf32>
        %mul3A_526 = arith.mulf %get3A_511, %get3A_511 : vector<16xf32>
        %add3A_527 = arith.addf %mul3A_525, %mul3A_526 : vector<16xf32>
        %mul3A_528 = arith.mulf %get3A_514, %get3A_514 : vector<16xf32>
        %add3A_529 = arith.addf %add3A_527, %mul3A_528 : vector<16xf32>
        %mul3A_530 = arith.mulf %get3A_517, %get3A_517 : vector<16xf32>
        %add3A_531 = arith.addf %add3A_529, %mul3A_530 : vector<16xf32>
        %reduce_sum3A_532 = arith.constant true
        %reduce_sum3A_533 = vector.broadcast %reduce_sum3A_532 : i1 to vector<16xi1>
        %reduce_sum3A_534 = tpu.scan <sum>, %add3A_531 masked %reduce_sum3A_533 : vector<16xf32>, vector<16xi1> -> vector<16xf32>
        %reduce_sum3A_535 = vector.extract %reduce_sum3A_534[15] : f32 from vector<16xf32>
        %mul3A_536 = arith.mulf %reduce_sum3A_524, %scan3A : f32
        %mul3A_537 = arith.mulf %reduce_sum3A_535, %scan3A : f32
        %mul3A_538 = arith.mulf %mul3A_536, %mul3A_536 : f32
        %sub3A_539 = arith.subf %mul3A_537, %mul3A_538 : f32
        %broadcast_in_dim3A_540 = vector.broadcast %mul3A_536 : f32 to vector<16xf32>
        %add3A_541 = arith.addf %sub3A_539, %scan3A_22 : f32
        %broadcast_in_dim3A_542 = vector.broadcast %add3A_541 : f32 to vector<16xf32>
        %bitcast3A_543 = vector.bitcast %broadcast_in_dim3A_542 : vector<16xf32> to vector<16xi32>
        %shift_right_logical3A_544 = arith.constant 1 : i32
        %shift_right_logical3A_545 = vector.broadcast %shift_right_logical3A_544 : i32 to vector<16xi32>
        %shift_right_logical3A_546 = arith.shrui %bitcast3A_543, %shift_right_logical3A_545 : vector<16xi32>
        %sub3A_547 = arith.constant 1597463007 : i32
        %sub3A_548 = vector.broadcast %sub3A_547 : i32 to vector<16xi32>
        %sub3A_549 = arith.subi %sub3A_548, %shift_right_logical3A_546 : vector<16xi32>
        %bitcast3A_550 = vector.bitcast %sub3A_549 : vector<16xi32> to vector<16xf32>
        %mul3A_551 = arith.constant 5.000000e-01 : f32
        %mul3A_552 = vector.broadcast %mul3A_551 : f32 to vector<16xf32>
        %mul3A_553 = arith.mulf %broadcast_in_dim3A_542, %mul3A_552 : vector<16xf32>
        %mul3A_554 = arith.mulf %mul3A_553, %bitcast3A_550 : vector<16xf32>
        %mul3A_555 = arith.mulf %mul3A_554, %bitcast3A_550 : vector<16xf32>
        %sub3A_556 = arith.constant 1.500000e+00 : f32
        %sub3A_557 = vector.broadcast %sub3A_556 : f32 to vector<16xf32>
        %sub3A_558 = arith.subf %sub3A_557, %mul3A_555 : vector<16xf32>
        %mul3A_559 = arith.mulf %bitcast3A_550, %sub3A_558 : vector<16xf32>
        %sub3A_560 = arith.subf %get3A_508, %broadcast_in_dim3A_540 : vector<16xf32>
        %mul3A_561 = arith.mulf %sub3A_560, %mul3A_559 : vector<16xf32>
        %mul3A_562 = arith.mulf %mul3A_561, %get3A_3 : vector<16xf32>
        %add3A_563 = arith.addf %mul3A_562, %get3A_11 : vector<16xf32>
        %swap3A_564 = arith.index_cast %scan3A_100 : i32 to index
        %swap3A_565 = arith.constant 320 : index
        %swap3A_566 = tpu.vector_load %arg9[%swap3A_564, %swap3A_565] {strides = array<i32>} : memref<64x512xf32, #tpu.memory_space<vmem>>, vector<16xf32>,
        tpu.vector_store %arg9[%swap3A_564, %swap3A_565], %add3A_563 {strides = array<i32>} : memref<64x512xf32, #tpu.memory_space<vmem>>, vector<16xf32>,
        %sub3A_567 = arith.subf %get3A_511, %broadcast_in_dim3A_540 : vector<16xf32>
        %mul3A_568 = arith.mulf %sub3A_567, %mul3A_559 : vector<16xf32>
        %mul3A_569 = arith.mulf %mul3A_568, %get3A_5 : vector<16xf32>
        %add3A_570 = arith.addf %mul3A_569, %get3A_13 : vector<16xf32>
        %swap3A_571 = arith.index_cast %scan3A_100 : i32 to index
        %swap3A_572 = arith.constant 336 : index
        %swap3A_573 = tpu.vector_load %arg9[%swap3A_571, %swap3A_572] {strides = array<i32>} : memref<64x512xf32, #tpu.memory_space<vmem>>, vector<16xf32>,
        tpu.vector_store %arg9[%swap3A_571, %swap3A_572], %add3A_570 {strides = array<i32>} : memref<64x512xf32, #tpu.memory_space<vmem>>, vector<16xf32>,
        %sub3A_574 = arith.subf %get3A_514, %broadcast_in_dim3A_540 : vector<16xf32>
        %mul3A_575 = arith.mulf %sub3A_574, %mul3A_559 : vector<16xf32>
        %mul3A_576 = arith.mulf %mul3A_575, %get3A_7 : vector<16xf32>
        %add3A_577 = arith.addf %mul3A_576, %get3A_15 : vector<16xf32>
        %swap3A_578 = arith.index_cast %scan3A_100 : i32 to index
        %swap3A_579 = arith.constant 352 : index
        %swap3A_580 = tpu.vector_load %arg9[%swap3A_578, %swap3A_579] {strides = array<i32>} : memref<64x512xf32, #tpu.memory_space<vmem>>, vector<16xf32>,
        tpu.vector_store %arg9[%swap3A_578, %swap3A_579], %add3A_577 {strides = array<i32>} : memref<64x512xf32, #tpu.memory_space<vmem>>, vector<16xf32>,
        %sub3A_581 = arith.subf %get3A_517, %broadcast_in_dim3A_540 : vector<16xf32>
        %mul3A_582 = arith.mulf %sub3A_581, %mul3A_559 : vector<16xf32>
        %mul3A_583 = arith.mulf %mul3A_582, %get3A_9 : vector<16xf32>
        %add3A_584 = arith.addf %mul3A_583, %get3A_17 : vector<16xf32>
        %swap3A_585 = arith.index_cast %scan3A_100 : i32 to index
        %swap3A_586 = arith.constant 368 : index
        %swap3A_587 = tpu.vector_load %arg9[%swap3A_585, %swap3A_586] {strides = array<i32>} : memref<64x512xf32, #tpu.memory_space<vmem>>, vector<16xf32>,
        tpu.vector_store %arg9[%swap3A_585, %swap3A_586], %add3A_584 {strides = array<i32>} : memref<64x512xf32, #tpu.memory_space<vmem>>, vector<16xf32>,
        %get3A_588 = arith.index_cast %scan3A_100 : i32 to index
        %get3A_589 = arith.constant 384 : index
        %get3A_590 = tpu.vector_load %arg9[%get3A_588, %get3A_589] {strides = array<i32>} : memref<64x512xf32, #tpu.memory_space<vmem>>, vector<16xf32>,
        %get3A_591 = arith.index_cast %scan3A_100 : i32 to index
        %get3A_592 = arith.constant 400 : index
        %get3A_593 = tpu.vector_load %arg9[%get3A_591, %get3A_592] {strides = array<i32>} : memref<64x512xf32, #tpu.memory_space<vmem>>, vector<16xf32>,
        %get3A_594 = arith.index_cast %scan3A_100 : i32 to index
        %get3A_595 = arith.constant 416 : index
        %get3A_596 = tpu.vector_load %arg9[%get3A_594, %get3A_595] {strides = array<i32>} : memref<64x512xf32, #tpu.memory_space<vmem>>, vector<16xf32>,
        %get3A_597 = arith.index_cast %scan3A_100 : i32 to index
        %get3A_598 = arith.constant 432 : index
        %get3A_599 = tpu.vector_load %arg9[%get3A_597, %get3A_598] {strides = array<i32>} : memref<64x512xf32, #tpu.memory_space<vmem>>, vector<16xf32>,
        %add3A_600 = arith.addf %get3A_590, %get3A_593 : vector<16xf32>
        %add3A_601 = arith.addf %add3A_600, %get3A_596 : vector<16xf32>
        %add3A_602 = arith.addf %add3A_601, %get3A_599 : vector<16xf32>
        %reduce_sum3A_603 = arith.constant true
        %reduce_sum3A_604 = vector.broadcast %reduce_sum3A_603 : i1 to vector<16xi1>
        %reduce_sum3A_605 = tpu.scan <sum>, %add3A_602 masked %reduce_sum3A_604 : vector<16xf32>, vector<16xi1> -> vector<16xf32>
        %reduce_sum3A_606 = vector.extract %reduce_sum3A_605[15] : f32 from vector<16xf32>
        %mul3A_607 = arith.mulf %get3A_590, %get3A_590 : vector<16xf32>
        %mul3A_608 = arith.mulf %get3A_593, %get3A_593 : vector<16xf32>
        %add3A_609 = arith.addf %mul3A_607, %mul3A_608 : vector<16xf32>
        %mul3A_610 = arith.mulf %get3A_596, %get3A_596 : vector<16xf32>
        %add3A_611 = arith.addf %add3A_609, %mul3A_610 : vector<16xf32>
        %mul3A_612 = arith.mulf %get3A_599, %get3A_599 : vector<16xf32>
        %add3A_613 = arith.addf %add3A_611, %mul3A_612 : vector<16xf32>
        %reduce_sum3A_614 = arith.constant true
        %reduce_sum3A_615 = vector.broadcast %reduce_sum3A_614 : i1 to vector<16xi1>
        %reduce_sum3A_616 = tpu.scan <sum>, %add3A_613 masked %reduce_sum3A_615 : vector<16xf32>, vector<16xi1> -> vector<16xf32>
        %reduce_sum3A_617 = vector.extract %reduce_sum3A_616[15] : f32 from vector<16xf32>
        %mul3A_618 = arith.mulf %reduce_sum3A_606, %scan3A : f32
        %mul3A_619 = arith.mulf %reduce_sum3A_617, %scan3A : f32
        %mul3A_620 = arith.mulf %mul3A_618, %mul3A_618 : f32
        %sub3A_621 = arith.subf %mul3A_619, %mul3A_620 : f32
        %broadcast_in_dim3A_622 = vector.broadcast %mul3A_618 : f32 to vector<16xf32>
        %add3A_623 = arith.addf %sub3A_621, %scan3A_22 : f32
        %broadcast_in_dim3A_624 = vector.broadcast %add3A_623 : f32 to vector<16xf32>
        %bitcast3A_625 = vector.bitcast %broadcast_in_dim3A_624 : vector<16xf32> to vector<16xi32>
        %shift_right_logical3A_626 = arith.constant 1 : i32
        %shift_right_logical3A_627 = vector.broadcast %shift_right_logical3A_626 : i32 to vector<16xi32>
        %shift_right_logical3A_628 = arith.shrui %bitcast3A_625, %shift_right_logical3A_627 : vector<16xi32>
        %sub3A_629 = arith.constant 1597463007 : i32
        %sub3A_630 = vector.broadcast %sub3A_629 : i32 to vector<16xi32>
        %sub3A_631 = arith.subi %sub3A_630, %shift_right_logical3A_628 : vector<16xi32>
        %bitcast3A_632 = vector.bitcast %sub3A_631 : vector<16xi32> to vector<16xf32>
        %mul3A_633 = arith.constant 5.000000e-01 : f32
        %mul3A_634 = vector.broadcast %mul3A_633 : f32 to vector<16xf32>
        %mul3A_635 = arith.mulf %broadcast_in_dim3A_624, %mul3A_634 : vector<16xf32>
        %mul3A_636 = arith.mulf %mul3A_635, %bitcast3A_632 : vector<16xf32>
        %mul3A_637 = arith.mulf %mul3A_636, %bitcast3A_632 : vector<16xf32>
        %sub3A_638 = arith.constant 1.500000e+00 : f32
        %sub3A_639 = vector.broadcast %sub3A_638 : f32 to vector<16xf32>
        %sub3A_640 = arith.subf %sub3A_639, %mul3A_637 : vector<16xf32>
        %mul3A_641 = arith.mulf %bitcast3A_632, %sub3A_640 : vector<16xf32>
        %sub3A_642 = arith.subf %get3A_590, %broadcast_in_dim3A_622 : vector<16xf32>
        %mul3A_643 = arith.mulf %sub3A_642, %mul3A_641 : vector<16xf32>
        %mul3A_644 = arith.mulf %mul3A_643, %get3A_3 : vector<16xf32>
        %add3A_645 = arith.addf %mul3A_644, %get3A_11 : vector<16xf32>
        %swap3A_646 = arith.index_cast %scan3A_100 : i32 to index
        %swap3A_647 = arith.constant 384 : index
        %swap3A_648 = tpu.vector_load %arg9[%swap3A_646, %swap3A_647] {strides = array<i32>} : memref<64x512xf32, #tpu.memory_space<vmem>>, vector<16xf32>,
        tpu.vector_store %arg9[%swap3A_646, %swap3A_647], %add3A_645 {strides = array<i32>} : memref<64x512xf32, #tpu.memory_space<vmem>>, vector<16xf32>,
        %sub3A_649 = arith.subf %get3A_593, %broadcast_in_dim3A_622 : vector<16xf32>
        %mul3A_650 = arith.mulf %sub3A_649, %mul3A_641 : vector<16xf32>
        %mul3A_651 = arith.mulf %mul3A_650, %get3A_5 : vector<16xf32>
        %add3A_652 = arith.addf %mul3A_651, %get3A_13 : vector<16xf32>
        %swap3A_653 = arith.index_cast %scan3A_100 : i32 to index
        %swap3A_654 = arith.constant 400 : index
        %swap3A_655 = tpu.vector_load %arg9[%swap3A_653, %swap3A_654] {strides = array<i32>} : memref<64x512xf32, #tpu.memory_space<vmem>>, vector<16xf32>,
        tpu.vector_store %arg9[%swap3A_653, %swap3A_654], %add3A_652 {strides = array<i32>} : memref<64x512xf32, #tpu.memory_space<vmem>>, vector<16xf32>,
        %sub3A_656 = arith.subf %get3A_596, %broadcast_in_dim3A_622 : vector<16xf32>
        %mul3A_657 = arith.mulf %sub3A_656, %mul3A_641 : vector<16xf32>
        %mul3A_658 = arith.mulf %mul3A_657, %get3A_7 : vector<16xf32>
        %add3A_659 = arith.addf %mul3A_658, %get3A_15 : vector<16xf32>
        %swap3A_660 = arith.index_cast %scan3A_100 : i32 to index
        %swap3A_661 = arith.constant 416 : index
        %swap3A_662 = tpu.vector_load %arg9[%swap3A_660, %swap3A_661] {strides = array<i32>} : memref<64x512xf32, #tpu.memory_space<vmem>>, vector<16xf32>,
        tpu.vector_store %arg9[%swap3A_660, %swap3A_661], %add3A_659 {strides = array<i32>} : memref<64x512xf32, #tpu.memory_space<vmem>>, vector<16xf32>,
        %sub3A_663 = arith.subf %get3A_599, %broadcast_in_dim3A_622 : vector<16xf32>
        %mul3A_664 = arith.mulf %sub3A_663, %mul3A_641 : vector<16xf32>
        %mul3A_665 = arith.mulf %mul3A_664, %get3A_9 : vector<16xf32>
        %add3A_666 = arith.addf %mul3A_665, %get3A_17 : vector<16xf32>
        %swap3A_667 = arith.index_cast %scan3A_100 : i32 to index
        %swap3A_668 = arith.constant 432 : index
        %swap3A_669 = tpu.vector_load %arg9[%swap3A_667, %swap3A_668] {strides = array<i32>} : memref<64x512xf32, #tpu.memory_space<vmem>>, vector<16xf32>,
        tpu.vector_store %arg9[%swap3A_667, %swap3A_668], %add3A_666 {strides = array<i32>} : memref<64x512xf32, #tpu.memory_space<vmem>>, vector<16xf32>,
        %get3A_670 = arith.index_cast %scan3A_100 : i32 to index
        %get3A_671 = arith.constant 448 : index
        %get3A_672 = tpu.vector_load %arg9[%get3A_670, %get3A_671] {strides = array<i32>} : memref<64x512xf32, #tpu.memory_space<vmem>>, vector<16xf32>,
        %get3A_673 = arith.index_cast %scan3A_100 : i32 to index
        %get3A_674 = arith.constant 464 : index
        %get3A_675 = tpu.vector_load %arg9[%get3A_673, %get3A_674] {strides = array<i32>} : memref<64x512xf32, #tpu.memory_space<vmem>>, vector<16xf32>,
        %get3A_676 = arith.index_cast %scan3A_100 : i32 to index
        %get3A_677 = arith.constant 480 : index
        %get3A_678 = tpu.vector_load %arg9[%get3A_676, %get3A_677] {strides = array<i32>} : memref<64x512xf32, #tpu.memory_space<vmem>>, vector<16xf32>,
        %get3A_679 = arith.index_cast %scan3A_100 : i32 to index
        %get3A_680 = arith.constant 496 : index
        %get3A_681 = tpu.vector_load %arg9[%get3A_679, %get3A_680] {strides = array<i32>} : memref<64x512xf32, #tpu.memory_space<vmem>>, vector<16xf32>,
        %add3A_682 = arith.addf %get3A_672, %get3A_675 : vector<16xf32>
        %add3A_683 = arith.addf %add3A_682, %get3A_678 : vector<16xf32>
        %add3A_684 = arith.addf %add3A_683, %get3A_681 : vector<16xf32>
        %reduce_sum3A_685 = arith.constant true
        %reduce_sum3A_686 = vector.broadcast %reduce_sum3A_685 : i1 to vector<16xi1>
        %reduce_sum3A_687 = tpu.scan <sum>, %add3A_684 masked %reduce_sum3A_686 : vector<16xf32>, vector<16xi1> -> vector<16xf32>
        %reduce_sum3A_688 = vector.extract %reduce_sum3A_687[15] : f32 from vector<16xf32>
        %mul3A_689 = arith.mulf %get3A_672, %get3A_672 : vector<16xf32>
        %mul3A_690 = arith.mulf %get3A_675, %get3A_675 : vector<16xf32>
        %add3A_691 = arith.addf %mul3A_689, %mul3A_690 : vector<16xf32>
        %mul3A_692 = arith.mulf %get3A_678, %get3A_678 : vector<16xf32>
        %add3A_693 = arith.addf %add3A_691, %mul3A_692 : vector<16xf32>
        %mul3A_694 = arith.mulf %get3A_681, %get3A_681 : vector<16xf32>
        %add3A_695 = arith.addf %add3A_693, %mul3A_694 : vector<16xf32>
        %reduce_sum3A_696 = arith.constant true
        %reduce_sum3A_697 = vector.broadcast %reduce_sum3A_696 : i1 to vector<16xi1>
        %reduce_sum3A_698 = tpu.scan <sum>, %add3A_695 masked %reduce_sum3A_697 : vector<16xf32>, vector<16xi1> -> vector<16xf32>
        %reduce_sum3A_699 = vector.extract %reduce_sum3A_698[15] : f32 from vector<16xf32>
        %mul3A_700 = arith.mulf %reduce_sum3A_688, %scan3A : f32
        %mul3A_701 = arith.mulf %reduce_sum3A_699, %scan3A : f32
        %mul3A_702 = arith.mulf %mul3A_700, %mul3A_700 : f32
        %sub3A_703 = arith.subf %mul3A_701, %mul3A_702 : f32
        %broadcast_in_dim3A_704 = vector.broadcast %mul3A_700 : f32 to vector<16xf32>
        %add3A_705 = arith.addf %sub3A_703, %scan3A_22 : f32
        %broadcast_in_dim3A_706 = vector.broadcast %add3A_705 : f32 to vector<16xf32>
        %bitcast3A_707 = vector.bitcast %broadcast_in_dim3A_706 : vector<16xf32> to vector<16xi32>
        %shift_right_logical3A_708 = arith.constant 1 : i32
        %shift_right_logical3A_709 = vector.broadcast %shift_right_logical3A_708 : i32 to vector<16xi32>
        %shift_right_logical3A_710 = arith.shrui %bitcast3A_707, %shift_right_logical3A_709 : vector<16xi32>
        %sub3A_711 = arith.constant 1597463007 : i32
        %sub3A_712 = vector.broadcast %sub3A_711 : i32 to vector<16xi32>
        %sub3A_713 = arith.subi %sub3A_712, %shift_right_logical3A_710 : vector<16xi32>
        %bitcast3A_714 = vector.bitcast %sub3A_713 : vector<16xi32> to vector<16xf32>
        %mul3A_715 = arith.constant 5.000000e-01 : f32
        %mul3A_716 = vector.broadcast %mul3A_715 : f32 to vector<16xf32>
        %mul3A_717 = arith.mulf %broadcast_in_dim3A_706, %mul3A_716 : vector<16xf32>
        %mul3A_718 = arith.mulf %mul3A_717, %bitcast3A_714 : vector<16xf32>
        %mul3A_719 = arith.mulf %mul3A_718, %bitcast3A_714 : vector<16xf32>
        %sub3A_720 = arith.constant 1.500000e+00 : f32
        %sub3A_721 = vector.broadcast %sub3A_720 : f32 to vector<16xf32>
        %sub3A_722 = arith.subf %sub3A_721, %mul3A_719 : vector<16xf32>
        %mul3A_723 = arith.mulf %bitcast3A_714, %sub3A_722 : vector<16xf32>
        %sub3A_724 = arith.subf %get3A_672, %broadcast_in_dim3A_704 : vector<16xf32>
        %mul3A_725 = arith.mulf %sub3A_724, %mul3A_723 : vector<16xf32>
        %mul3A_726 = arith.mulf %mul3A_725, %get3A_3 : vector<16xf32>
        %add3A_727 = arith.addf %mul3A_726, %get3A_11 : vector<16xf32>
        %swap3A_728 = arith.index_cast %scan3A_100 : i32 to index
        %swap3A_729 = arith.constant 448 : index
        %swap3A_730 = tpu.vector_load %arg9[%swap3A_728, %swap3A_729] {strides = array<i32>} : memref<64x512xf32, #tpu.memory_space<vmem>>, vector<16xf32>,
        tpu.vector_store %arg9[%swap3A_728, %swap3A_729], %add3A_727 {strides = array<i32>} : memref<64x512xf32, #tpu.memory_space<vmem>>, vector<16xf32>,
        %sub3A_731 = arith.subf %get3A_675, %broadcast_in_dim3A_704 : vector<16xf32>
        %mul3A_732 = arith.mulf %sub3A_731, %mul3A_723 : vector<16xf32>
        %mul3A_733 = arith.mulf %mul3A_732, %get3A_5 : vector<16xf32>
        %add3A_734 = arith.addf %mul3A_733, %get3A_13 : vector<16xf32>
        %swap3A_735 = arith.index_cast %scan3A_100 : i32 to index
        %swap3A_736 = arith.constant 464 : index
        %swap3A_737 = tpu.vector_load %arg9[%swap3A_735, %swap3A_736] {strides = array<i32>} : memref<64x512xf32, #tpu.memory_space<vmem>>, vector<16xf32>,
        tpu.vector_store %arg9[%swap3A_735, %swap3A_736], %add3A_734 {strides = array<i32>} : memref<64x512xf32, #tpu.memory_space<vmem>>, vector<16xf32>,
        %sub3A_738 = arith.subf %get3A_678, %broadcast_in_dim3A_704 : vector<16xf32>
        %mul3A_739 = arith.mulf %sub3A_738, %mul3A_723 : vector<16xf32>
        %mul3A_740 = arith.mulf %mul3A_739, %get3A_7 : vector<16xf32>
        %add3A_741 = arith.addf %mul3A_740, %get3A_15 : vector<16xf32>
        %swap3A_742 = arith.index_cast %scan3A_100 : i32 to index
        %swap3A_743 = arith.constant 480 : index
        %swap3A_744 = tpu.vector_load %arg9[%swap3A_742, %swap3A_743] {strides = array<i32>} : memref<64x512xf32, #tpu.memory_space<vmem>>, vector<16xf32>,
        tpu.vector_store %arg9[%swap3A_742, %swap3A_743], %add3A_741 {strides = array<i32>} : memref<64x512xf32, #tpu.memory_space<vmem>>, vector<16xf32>,
        %sub3A_745 = arith.subf %get3A_681, %broadcast_in_dim3A_704 : vector<16xf32>
        %mul3A_746 = arith.mulf %sub3A_745, %mul3A_723 : vector<16xf32>
        %mul3A_747 = arith.mulf %mul3A_746, %get3A_9 : vector<16xf32>
        %add3A_748 = arith.addf %mul3A_747, %get3A_17 : vector<16xf32>
        %swap3A_749 = arith.index_cast %scan3A_100 : i32 to index
        %swap3A_750 = arith.constant 496 : index
        %swap3A_751 = tpu.vector_load %arg9[%swap3A_749, %swap3A_750] {strides = array<i32>} : memref<64x512xf32, #tpu.memory_space<vmem>>, vector<16xf32>,
        tpu.vector_store %arg9[%swap3A_749, %swap3A_750], %add3A_748 {strides = array<i32>} : memref<64x512xf32, #tpu.memory_space<vmem>>, vector<16xf32>,
        %scan3A_752 = arith.constant 0 : i32
        scf.yield %scan3A_752 : i32
      }
      %scan3A_87 = arith.constant 64 : i32
      %mul3A_88 = arith.constant 64 : i32
      %mul3A_89 = arith.muli %add3A_46, %mul3A_88 : i32
      %add3A_90 = arith.addi %mul3A_2, %mul3A_89 : i32
      %dma_start3A_91 = arith.constant 0 : i32
      %dma_start3A_92 = tpu.memref_slice %arg6[%add3A_90, %dma_start3A_91] : memref<16384x512xf32, #tpu.memory_space<hbm>> -> memref<64x512xf32, #tpu.memory_space<hbm>>
      %dma_start3A_93 = arith.constant 0 : i32
      %dma_start3A_94 = tpu.memref_slice %arg6[%add3A_90, %dma_start3A_93] : memref<16384x512xf32, #tpu.memory_space<hbm>> -> memref<64x512xf32, #tpu.memory_space<hbm>>
      tpu.enqueue_dma source(%arg9 : memref<64x512xf32, #tpu.memory_space<vmem>>) target(%dma_start3A_94 : memref<64x512xf32, #tpu.memory_space<hbm>>) target_semaphore(%arg15 : memref<!tpu.dma_semaphore, #tpu.memory_space<semaphore_mem>>)
      %lt3A = arith.constant 3 : i32
      %lt3A_95 = arith.cmpi slt, %scan3A_41, %lt3A : i32
      %convert_element_type3A_96 = arith.extui %lt3A_95 : i1 to i32
      %cond3A_97 = arith.constant 0 : i32
      %cond3A_98 = arith.cmpi ne, %convert_element_type3A_96, %cond3A_97 : i32
      scf.if %cond3A_98 {
        %mul3A_100 = arith.constant 64 : i32
        %mul3A_101 = arith.muli %mul3A_44, %mul3A_100 : i32
        %add3A_102 = arith.addi %mul3A_2, %mul3A_101 : i32
        %dma_wait3A_103 = arith.constant 0 : i32
        %dma_wait3A_104 = tpu.memref_slice %arg6[%add3A_102, %dma_wait3A_103] : memref<16384x512xf32, #tpu.memory_space<hbm>> -> memref<64x512xf32, #tpu.memory_space<hbm>>
        %dma_wait3A_105 = arith.constant 0 : i32
        %dma_wait3A_106 = tpu.memref_slice %arg6[%add3A_102, %dma_wait3A_105] : memref<16384x512xf32, #tpu.memory_space<hbm>> -> memref<64x512xf32, #tpu.memory_space<hbm>>
        tpu.wait_dma2 semaphore(%arg14 : memref<!tpu.dma_semaphore, #tpu.memory_space<semaphore_mem>>) src(%arg8 : memref<64x512xf32, #tpu.memory_space<vmem>>) dst(%dma_wait3A_106 : memref<64x512xf32, #tpu.memory_space<hbm>>)
        %add3A_107 = arith.constant 2 : i32
        %add3A_108 = arith.addi %mul3A_44, %add3A_107 : i32
        %mul3A_109 = arith.constant 64 : i32
        %mul3A_110 = arith.muli %add3A_108, %mul3A_109 : i32
        %dma_start3A_111 = tpu.memref_slice %arg7[%mul3A_110] : memref<512xi32, #tpu.memory_space<vmem>> -> memref<64xi32, #tpu.memory_space<vmem>>
        %dma_start3A_112 = arith.constant 0 : i32
        %dma_start3A_113 = arith.constant 0 : i32
        %dma_start3A_114 = tpu.memref_slice %arg3[%dma_start3A_112, %dma_start3A_113] : memref<100000x512xf32, #tpu.memory_space<hbm>> -> memref<100000x512xf32, #tpu.memory_space<hbm>>
        tpu.enqueue_indirect_dma source(%dma_start3A_114 : memref<100000x512xf32, #tpu.memory_space<hbm>>) target(%arg8 : memref<64x512xf32, #tpu.memory_space<vmem>>) offsets(%dma_start3A_111 : memref<64xi32, #tpu.memory_space<vmem>>) semaphore(%arg12 : memref<!tpu.dma_semaphore, #tpu.memory_space<semaphore_mem>>)
      } else {
      }
      %scan3A_99 = arith.constant 0 : i32
      scf.yield %scan3A_99 : i32
    }
    %scan3A_29 = arith.constant 4 : i32
    %add3A_30 = arith.constant 384 : i32
    %add3A_31 = arith.addi %mul3A_2, %add3A_30 : i32
    %dma_wait3A = arith.constant 0 : i32
    %dma_wait3A_32 = tpu.memref_slice %arg6[%add3A_31, %dma_wait3A] : memref<16384x512xf32, #tpu.memory_space<hbm>> -> memref<64x512xf32, #tpu.memory_space<hbm>>
    %dma_wait3A_33 = arith.constant 0 : i32
    %dma_wait3A_34 = tpu.memref_slice %arg6[%add3A_31, %dma_wait3A_33] : memref<16384x512xf32, #tpu.memory_space<hbm>> -> memref<64x512xf32, #tpu.memory_space<hbm>>
    tpu.wait_dma2 semaphore(%arg14 : memref<!tpu.dma_semaphore, #tpu.memory_space<semaphore_mem>>) src(%arg8 : memref<64x512xf32, #tpu.memory_space<vmem>>) dst(%dma_wait3A_34 : memref<64x512xf32, #tpu.memory_space<hbm>>)
    %add3A_35 = arith.constant 448 : i32
    %add3A_36 = arith.addi %mul3A_2, %add3A_35 : i32
    %dma_wait3A_37 = arith.constant 0 : i32
    %dma_wait3A_38 = tpu.memref_slice %arg6[%add3A_36, %dma_wait3A_37] : memref<16384x512xf32, #tpu.memory_space<hbm>> -> memref<64x512xf32, #tpu.memory_space<hbm>>
    %dma_wait3A_39 = arith.constant 0 : i32
    %dma_wait3A_40 = tpu.memref_slice %arg6[%add3A_36, %dma_wait3A_39] : memref<16384x512xf32, #tpu.memory_space<hbm>> -> memref<64x512xf32, #tpu.memory_space<hbm>>
    tpu.wait_dma2 semaphore(%arg15 : memref<!tpu.dma_semaphore, #tpu.memory_space<semaphore_mem>>) src(%arg9 : memref<64x512xf32, #tpu.memory_space<vmem>>) dst(%dma_wait3A_40 : memref<64x512xf32, #tpu.memory_space<hbm>>)
    return
  }
}

</mosaic_0001>

<sc_bundles>
// kernel: _encode.3.cloned.1.call-start
scs
__scs_entry_jumppad:
0x0: {  	(pc) =	sbr.rel $0x88, $3  }
0x1: {  	(tag) =	ssettag $0x0;
	lr =	simm.s32 $0x1  }
0x2: {  	[smem:$0x3F9D] =	sst lr;
	_ =	strace $0xD0000000  }
0x3: {  	_ = 	snop  }
0x4: {  	_ = 	snop  }
0x5: {  	_ = 	snop  }
0x6: {  	_ = 	snop  }
0x7: {  	_ = 	snop  }
__scs_overlays_trampoline_lowered:
0x8: {  	[smem:$0x3FAC] =	sst s0  }
0x9: {  	[smem:$0x3FAD] =	sst s1  }
0xa: {  	[smem:$0x3FAE] =	sst s2  }
0xb: {  	[smem:$0x3FAF] =	sst s3  }
0xc: {  	[smem:$0x3FB0] =	sst s4  }
0xd: {  	[smem:$0x3FB1] =	sst s5  }
0xe: {  	[smem:$0x3FB2] =	sst s6  }
0xf: {  	[smem:$0x3FB3] =	sst s7  }
0x10: {  	[smem:$0x3FB4] =	sst s8  }
0x11: {  	[smem:$0x3FB5] =	sst s9;
	s0 =	simm.s32 @!p0 $0x0  }
0x12: {  	s1 =	sld [smem:$0x3F9B];
	s0 =	simm.s32 @p0 $0x1  }
0x13: {  	[smem:$0x3FB6] =	sst s0;
	s0 =	simm.s32 @!p1 $0x0  }
0x14: {  	s2 =	sld [smem:$0x3F9A];
	s0 =	simm.s32 @p1 $0x1  }
0x15: {  	[smem:$0x3FB7] =	sst s0;
	s0 =	simm.s32 @!p2 $0x0  }
0x16: {  	s3 =	sld [smem:$0x3FDB];
	s0 =	simm.s32 @p2 $0x1  }
0x17: {  	s4 =	simm.s32 $0x1BF5;
	[smem:$0x3FB9] =	sst s0  }
0x18: {  	s0 =	sld [smem:$0x3F9C];
	_ =	swait.ge [sflag:s4], $0x0  }
0x19: {  	s7 =	sld [smem:$0x3F9D]  }
0x1a: {  	s8 =	sadd.s32 $0xFFFFE003, lr  }
0x1b: {  	s9 =	sadd.s32 $0xFFFFFEF7, lr;
	s5 =	simm.s32 $0xFFFFFFFF;
	p2 =	slt.u32 s8, $0xFFFFF086  }
0x1c: {  	p1 =	slt.u32 s9, $0xF7A;
	s5 =	simm.s32 @!p2 $0x0  }
0x1d: {  	s5 =	simm.s32 @p1 $0x1;
	p0 =	seq.s32 s7, s2  }
0x1e: {  	s7 =	smul.u32 @!p0 $0xF7A, s2;
	p2 =	seq.s32 @!p0 s5, $0x0  }
0x1f: {  	s9 =	smul.u32 $0xF7A, s1;
	s8 =	simm.s32 @!p0 $0x1BF5;
	p2 =	por !p2, p0  }
0x20: {  	[sflag:s8] =	ssyncset.s32 @!p0 $0xFFFFF086;
	s6 =	sadd.s32 @!p0 s3, s7;
	s7 =	simm.s32 @!p0 $0x108  }
0x21: {  	s3 =	sadd.s32 s3, s9;
	s6 =	sadd.s32 @!p0 $0x88, s6;
	s7 =	simm.s32 @p2 $0x1082  }
0x22: {  	[simem:s7], [sflag:s8] =	dma.local @!p0 [hbm:s6], $0xF7A  }
0x23: {  	s9 =	sor.u32 $0xD0000000, s2;
	s6 =	simm.s32 $0x108;
	_ =	swait.ge @!p0 [sflag:s8], $0x0  }
0x24: {  	s3 =	sadd.s32 $0x88, s3;
	s6 =	simm.s32 @!p1 $0x1082;
	[sflag:s4] =	ssyncset.s32 $0xFFFFF086  }
0x25: {  	[simem:s6], [sflag:s4] =	dma.local [hbm:s3], $0xF7A  }
0x26: {  	[smem:$0x3F9D] =	sst s1;
	(tag) =	ssettag s2;
	_ =	strace s9  }
0x27: {  	s1 =	sld [smem:$0x3FAD]  }
0x28: {  	s2 =	sld [smem:$0x3FAE]  }
0x29: {  	s4 =	sld [smem:$0x3FB0]  }
0x2a: {  	p0 =	seq.s32 s5, $0x0;
	s5 =	sld [smem:$0x3FB1]  }
0x2b: {  	s6 =	sld [smem:$0x3FB2]  }
0x2c: {  	s7 =	sld [smem:$0x3FB3]  }
0x2d: {  	s3 =	simm.s32 $0x108;
	s8 =	sld [smem:$0x3FB4]  }
0x2e: {  	s3 =	simm.s32 @!p0 $0x1082;
	s9 =	sld [smem:$0x3FB5]  }
0x2f: {  	lr =	sadd.s32 s0, s3;
	s0 =	sld [smem:$0x3FAC]  }
0x30: {  	s3 =	sld [smem:$0x3FAF]  }
0x31: {  	[smem:$0x3FB8] =	sst s10  }
0x32: {  	s10 =	sld [smem:$0x3FB6];
	_ =	sdelay $0x3  }
0x33: {  	p0 =	seq.s32 s10, $0x1;
	s10 =	sld [smem:$0x3FB8];
	_ =	sdelay $0x3  }
0x34: {  	[smem:$0x3FB8] =	sst s10  }
0x35: {  	s10 =	sld [smem:$0x3FB7];
	_ =	sdelay $0x3  }
0x36: {  	p1 =	seq.s32 s10, $0x1;
	s10 =	sld [smem:$0x3FB8];
	_ =	sdelay $0x3  }
0x37: {  	[smem:$0x3FB8] =	sst s10  }
0x38: {  	s10 =	sld [smem:$0x3FB9]  }
0x39: {  	_ = 	snop;
	(pc) =	sbr.ind lr, $3  }
0x3a: {  	_ = 	snop  }
0x3b: {  	_ = 	snop  }
0x3c: {  	p2 =	seq.s32 s10, $0x1;
	s10 =	sld [smem:$0x3FB8]  }
0x3d: {  	_ =	shalt  }
0x3e: {  	_ =	shalt  }
0x3f: {  	_ =	shalt  }
0x40: {  	_ =	shalt  }
0x41: {  	_ =	shalt  }
0x42: {  	_ =	shalt  }
0x43: {  	_ =	shalt  }
0x44: {  	_ =	shalt  }
0x45: {  	_ =	shalt  }
0x46: {  	_ =	shalt  }
0x47: {  	_ =	shalt  }
0x48: {  	_ =	shalt  }
0x49: {  	_ =	shalt  }
0x4a: {  	_ =	shalt  }
0x4b: {  	_ =	shalt  }
0x4c: {  	_ =	shalt  }
0x4d: {  	_ =	shalt  }
0x4e: {  	_ =	shalt  }
0x4f: {  	_ =	shalt  }
0x50: {  	_ =	shalt  }
0x51: {  	_ =	shalt  }
0x52: {  	_ =	shalt  }
0x53: {  	_ =	shalt  }
0x54: {  	_ =	shalt  }
0x55: {  	_ =	shalt  }
0x56: {  	_ =	shalt  }
0x57: {  	_ =	shalt  }
0x58: {  	_ =	shalt  }
0x59: {  	_ =	shalt  }
0x5a: {  	_ =	shalt  }
0x5b: {  	_ =	shalt  }
0x5c: {  	_ =	shalt  }
0x5d: {  	_ =	shalt  }
0x5e: {  	_ =	shalt  }
0x5f: {  	_ =	shalt  }
0x60: {  	_ =	shalt  }
0x61: {  	_ =	shalt  }
0x62: {  	_ =	shalt  }
0x63: {  	_ =	shalt  }
0x64: {  	_ =	shalt  }
0x65: {  	_ =	shalt  }
0x66: {  	_ =	shalt  }
0x67: {  	_ =	shalt  }
0x68: {  	_ =	shalt  }
0x69: {  	_ =	shalt  }
0x6a: {  	_ =	shalt  }
0x6b: {  	_ =	shalt  }
0x6c: {  	_ =	shalt  }
0x6d: {  	_ =	shalt  }
0x6e: {  	_ =	shalt  }
0x6f: {  	_ =	shalt  }
0x70: {  	_ =	shalt  }
0x71: {  	_ =	shalt  }
0x72: {  	_ =	shalt  }
0x73: {  	_ =	shalt  }
0x74: {  	_ =	shalt  }
0x75: {  	_ =	shalt  }
0x76: {  	_ =	shalt  }
0x77: {  	_ =	shalt  }
0x78: {  	_ =	shalt  }
0x79: {  	_ =	shalt  }
0x7a: {  	_ =	shalt  }
0x7b: {  	_ =	shalt  }
0x7c: {  	_ =	shalt  }
0x7d: {  	_ =	shalt  }
0x7e: {  	_ =	shalt  }
0x7f: {  	_ =	shalt  }
0x80: {  	_ =	shalt  }
0x81: {  	_ =	shalt  }
0x82: {  	_ =	shalt  }
0x83: {  	_ =	shalt  }
0x84: {  	_ =	shalt  }
0x85: {  	_ =	shalt  }
0x86: {  	_ =	shalt  }
0x87: {  	_ =	shalt  }
.Lfunc_end0:
.L_simem_size_0:
called_computation_lowered:
.L_overlay_start_0:
0x88: {  	s2 =	sld [smem:$0x3FD9]  }
0x89: {  	s3 =	sld [smem:$0x3FFE];
	_ =	sdelay $0x1  }
0x8a: {  	s1 =	srdreg.scid  }
0x8b: {  	s0 =	sand.u32 $0x1, s1  }
0x8c: {  	s18 =	sshll.u32 s0, $0xA;
	s2 =	sadd.s32 s3, s2  }
0x8d: {  	s2 =	sadd.s32 s2, s18  }
0x8e: {  	[smem:$0x3FC4] =	sst s2  }
0x8f: {  	_ = 	snop  }
0x90: {  	s2 =	sld [smem:$0x3FC9]  }
0x91: {  	s19 =	sld [smem:$0x3FC8]  }
0x92: {  	s4 =	sld [smem:$0x3FC7]  }
0x93: {  	s5 =	sld [smem:$0x3FC6]  }
0x94: {  	s6 =	sld [smem:$0x3FD0];
	(tm) =	ssettm $0x1  }
0x95: {  	s7 =	sld [smem:$0x3FFB];
	_ =	sdelay $0x3  }
0x96: {  	_ =	strace s7  }
0x97: {  	s7 =	sld [smem:$0x3FFC];
	_ =	sdelay $0x3  }
0x98: {  	_ =	strace s7  }
0x99: {  	s7 =	sld [smem:$0x3FFD];
	_ =	sdelay $0x3  }
0x9a: {  	_ =	strace s7  }
0x9b: {  	_ =	strace $0x8FFFFFFF  }
0x9c: {  	s20 =	sld [smem:$0x3FDB];
	_ =	sdelay $0x1  }
0x9d: {  	s8 =	simm.s32 $_scs_section_size  }
0x9e: {  	s9 =	simm.s32 $_size__tile_overlayer_lowered;
	s10 =	simm.s32 $_tile_overlayer_lowered  }
0x9f: {  	s23 =	simm.s32 $0x1BFF;
	s22 =	sshll.u32 s10, $0x1;
	s7 =	sadd.s32 s8, s20  }
0xa0: {  	s11 =	simm.s32 $0x0;
	s21 =	sshll.u32 s9, $0x1;
	s9 =	sadd.s32 s22, s7  }
0xa1: {  	[timem:s11], [sflag:s23] =	dma.local [hbm:s9], s21  }
0xa2: {  	_ =	swait.ge [sflag:s23], s21  }
0xa3: {  	s8 =	ssub.s32 $0x0, s21;
	[sflag:s23] =	ssyncset.done $0x0  }
0xa4: {  	[sflag:s23] =	ssyncadd.s32 s8;
	_ =	sdelay $0x1  }
0xa5: {  	s24 =	simm.s32 $0x1B8B  }
0xa6: {  	_ =	swait.ge [sflag:s24], $0x1  }
0xa7: {  	[sflag:s24] =	ssyncset.done $0x0  }
0xa8: {  	s25 =	simm.s32 $0x1B8E;
	[sflag:s24] =	ssyncadd.s32 $0xFFFFFFFF  }
0xa9: {  	s26 =	simm.s32 $execute0_lowered;
	[smem:$0x3FD2] =	sst s25  }
0xaa: {  	s8 =	sshll.u32 s26, $0x1;
	_ =	strace $0x80000046;
	[dreg:$0x1] =	wrdreg $0xFFFFFFFF  }
0xab: {  	s28 =	simm.s32 $_size_execute0_lowered;
	s7 =	sadd.s32 s7, s8;
	[dreg:$0x0] =	wrdreg $0x0  }
0xac: {  	s8 =	sshll.u32 s28, $0x1;
	[dreg:$0x2] =	wrdreg s7  }
0xad: {  	[dreg:$0x3] =	wrdreg s8  }
0xae: {  	[dreg:$0x4] =	wrdreg $0xC0  }
0xaf: {  	_ =	task [dreg:s11], $0x5FFFF  }
0xb0: {  	[dreg:$0x1] =	wrdreg $0xFFFFFFFF  }
0xb1: {  	[dreg:$0x0] =	wrdreg $0x60  }
0xb2: {  	[dreg:$0x2] =	wrdreg s2  }
0xb3: {  	[dreg:$0x3] =	wrdreg s19  }
0xb4: {  	[dreg:$0x4] =	wrdreg s4  }
0xb5: {  	[dreg:$0x5] =	wrdreg s5  }
0xb6: {  	[dreg:$0x6] =	wrdreg s6  }
0xb7: {  	[dreg:$0x7] =	wrdreg $0x9  }
0xb8: {  	_ =	task.clear_ibuf [dreg:s11], $0x8FFFF;
	_ =	strace $0x90000046  }
0xb9: {  	s29 =	simm.s32 $0x9;
	_ =	strace $0x80000048  }
0xba: {  	_ =	swait.ge [sflag:s29], $0x1  }
0xbb: {  	[sflag:s29] =	ssyncadd.s32 $0xFFFFFFFF  }
0xbc: {  	_ =	strace $0x90000048  }
0xbd: {  	_ =	sfence  }
0xbe: {  	s30 =	sld [smem:$0x0];
	_ =	sdelay $0x2  }
0xbf: {  	s31 =	sshll.u32 s1, $0xD;
	s1 =	sshrl.u32 s1, $0x2  }
0xc0: {  	s3 =	sand.u32 $0x4000, s31;
	s1 =	sadd.s32 s1, s30  }
0xc1: {  	s0 =	sor.u32 s3, s0;
	s1 =	sshll.u32 s1, $0x11  }
0xc2: {  	s0 =	sor.u32 s1, s0  }
0xc3: {  	s0 =	sadd.s32 $0x8F2B, s0  }
0xc4: {  	[sflag:s0] =	ssyncadd.remote.s32 $0x1  }
0xc5: {  	_ =	sfence.sel $0xFFFF  }
0xc6: {  	[dreg:$0x0] =	wrdreg $0xFFFFFFFF;
	(pc) =	sbr.abs _section_cstart, $3  }
0xc7: {  	[dreg:$0x1] =	wrdreg $0xFFFFFFFF  }
0xc8: {  	_ =	task.clear_ibuf [dreg:s11], $0x2FFFF;
	_ =	strace $0x9FFFFFFF  }
0xc9: {  	(tm) =	ssettm $0x7FFFFFFF  }
tec
execute0_lowered:
.L_overlay_start_1:
0x0: {  	(tag) =	ssettag $0x1  }
0x1: {  	s0 =	rddreg [dreg:$0x0]  }
0x2: {  	s1 =	rddreg [dreg:$0x1]  }
0x3: {  	s8 =	rddreg [dreg:$0x4];
	s2 =	srdreg.scid  }
0x4: {  	s6 =	simm.s32 $0x0;
	s4 =	stileid.u32;
	s15 =	simm.s32 $0x200  }
0x5: {  	s11 =	simm.s32 $0xBA00;
	s12 =	simm.s32 $0xC200;
	s16 =	simm.s32 $0xD200  }
0x6: {  	s17 =	simm.s32 $0xDA00;
	s18 =	simm.s32 $0xE200;
	s19 =	simm.s32 $0xEA00  }
0x7: {  	s20 =	simm.s32 $0xF200;
	s21 =	simm.s32 $0xFA00;
	s22 =	simm.s32 $0x1  }
0x8: {  	s23 =	simm.s32 $0x2;
	s24 =	simm.s32 $0x3;
	s2 =	sand.u32 $0x1, s2  }
0x9: {  	s4 =	sshll.u32 s4, $0x9;
	[smem:$0x7FF] =	sst s6;
	s9 =	sadd.s32 $0x100, s1  }
0xa: {  	s3 =	ssub.s32 $0x2, s2;
	s2 =	sshll.u32 s2, $0xD;
	_ =	strace $0x80000047  }
.Ltmp0:
0xb: {  	s5 =	sshrl.u32 s3, $0x1;
	s7 =	sor.u32 s4, s2;
	(pc) =	sbr.rel .LBB2_1-.Ltmp0, $4  }
0xc: {  	s4 =	simm.s32 $0x0;
	s28 =	ssub.s32 s3, s5;
	s29 =	sshrl.u32 s7, $0x3  }
0xd: {  	v2 =	vlaneseq.u32;
	s30 =	sshll.u32 s7, $0x6;
	s5 =	simm.s32 $0xCA00;
	s0 =	sadd.s32 s0, s29  }
0xe: {  	vm0 =	vmmov $0xffff;
	v1 =	vshrl.u32 v2, $0x3;
	s10 =	sadd.s32 s8, s30;
	s31 =	smax.u32 s28, $0x1;
	[dreg:$0x6] =	wrdreg s0  }
0xf: {  	v0 =	vand.u32 $0x7, v2;
	v2 =	vor.u32 $0x8, v2;
	v1 =	vmul.u32 $0x8, v1;
	s8 =	simm.s32 $0xB200;
	[dreg:$0x7] =	wrdreg s31;
	s0 =	simm.s32 $0x8200  }
.LBB2_8:
0x10: {  	s3 =	simm.s32 $0x4  }
0x11: {  	_ =	swait.ge [sflag:s3], $0x8000  }
0x12: {  	s4 =	rddreg [dreg:$0x8]  }
0x13: {  	s2 =	rddreg [dreg:$0x7];
	s4 =	sadd.s32 $0x1, s4  }
0x14: {  	p0 =	sne.s32 s4, s2  }
.Ltmp1:
0x15: {  	_ = 	snop;
	(pc) =	sbr.rel @!p0 .LBB2_9-.Ltmp1, $3  }
0x16: {  	_ =	sdelay $0x1  }
0x17: {  	[sflag:s3] =	ssyncset.done $0x0  }
0x18: {  	[sflag:s3] =	ssyncadd.s32 $0xFFFF8000  }
.LBB2_1:
0x19: {  	[dreg:$0x8] =	wrdreg s4  }
0x1a: {  	s2 =	rddreg [dreg:$0x6];
	s3 =	simm.s32 $0x5  }
0x1b: {  	[tilespmem:s6], [sflag:$0x5] =	stream.linear.gather [hbm4b:s2+s6], $0x200, $0x38;
	[tilespmem:$0x10300] =	vst v63  }
0x1c: {  	_ =	swait.ge [sflag:s3], $0x200  }
0x1d: {  	[sflag:s3] =	ssyncset.done $0x0  }
0x1e: {  	[sflag:s3] =	ssyncadd.s32 $0xFFFFFE00  }
0x1f: {  	s13 =	simm.s32 $0x10200;
	s4 =	rddreg [dreg:$0x2]  }
0x20: {  	[tilespmem:s13], [sflag:$0x5] =	stream.linear.gather [hbm4b:s4+s6], $0x80, $0x38;
	[tilespmem:$0x10300] =	vst v63  }
0x21: {  	_ =	swait.ge [sflag:s3], $0x80  }
0x22: {  	[sflag:s3] =	ssyncset.done $0x0  }
0x23: {  	[sflag:s3] =	ssyncadd.s32 $0xFFFFFF80  }
0x24: {  	s25 =	simm.s32 $0x10280;
	s14 =	rddreg [dreg:$0x3]  }
0x25: {  	[tilespmem:s25], [sflag:$0x5] =	stream.linear.gather [hbm4b:s14+s6], $0x80, $0x38;
	[tilespmem:$0x10300] =	vst v63  }
0x26: {  	_ =	swait.ge [sflag:s3], $0x80  }
0x27: {  	[sflag:s3] =	ssyncset.done $0x0  }
0x28: {  	[sflag:s3] =	ssyncadd.s32 $0xFFFFFF80  }
0x29: {  	v3 =	vld [tilespmem:$0x0];
	_ =	sdelay $0x4  }
0x2a: {  	v4 =	vshll.u32 v3, $0x2  }
0x2b: {  	v5 =	vand.u32 $0x7, v3;
	v4 =	vand.u32 $0xFFFFFFE0, v4  }
0x2c: {  	v9 =	vor.u32 v5, v4  }
0x2d: {  	v6 =	vld [tilespmem:$0x10230];
	v7 =	vperm.xlane v9, v0  }
0x2e: {  	v8 =	vld [tilespmem:$0x10290]  }
0x2f: {  	v10 =	vld [tilespmem:$0x102B0];
	v11 =	vadd.s32 v1, v7  }
0x30: {  	v3 =	vld [tilespmem:$0x10200]  }
0x31: {  	v4 =	vld [tilespmem:$0x10210];
	v12 =	vperm.xlane v9, v2  }
0x32: {  	v5 =	vld [tilespmem:$0x10220]  }
0x33: {  	v9 =	vld [tilespmem:$0x102A0];
	v12 =	vadd.s32 v1, v12  }
0x34: {  	v7 =	vld [tilespmem:$0x10280];
	[tilespmem:s15], [sflag:$0x1] =	stream.indirect_vreg.gather [hbm4b:s1+s6], $0x80, v11, vm0, $0xb8  }
0x35: {  	s26 =	simm.s32 $0xA00  }
0x36: {  	[tilespmem:s26], [sflag:$0x1] =	stream.indirect_vreg.gather [hbm4b:s9+s6], $0x80, v11, vm0, $0xb8;
	[tilespmem:$0x10300] =	vst v63  }
0x37: {  	s28 =	simm.s32 $0x1200  }
0x38: {  	[tilespmem:s28], [sflag:$0x1] =	stream.indirect_vreg.gather [hbm4b:s1+s6], $0x80, v12, vm0, $0xb8;
	[tilespmem:$0x10300] =	vst v63  }
0x39: {  	s29 =	simm.s32 $0x1A00  }
0x3a: {  	[tilespmem:s29], [sflag:$0x1] =	stream.indirect_vreg.gather [hbm4b:s9+s6], $0x80, v12, vm0, $0xb8;
	[tilespmem:$0x10300] =	vst v63  }
0x3b: {  	v11 =	vld [tilespmem:$0x10];
	_ =	sdelay $0x4  }
0x3c: {  	v61 =	vshll.u32 v11, $0x2  }
0x3d: {  	v11 =	vand.u32 $0x7, v11;
	v12 =	vand.u32 $0xFFFFFFE0, v61  }
0x3e: {  	v11 =	vor.u32 v11, v12  }
0x3f: {  	v12 =	vperm.xlane v11, v0;
	_ =	sdelay $0x1  }
0x40: {  	v12 =	vadd.s32 v1, v12;
	_ =	sdelay $0x1  }
0x41: {  	v11 =	vperm.xlane v11, v2;
	_ =	sdelay $0x1  }
0x42: {  	s30 =	simm.s32 $0x2200;
	v11 =	vadd.s32 v1, v11  }
0x43: {  	[tilespmem:s30], [sflag:$0x1] =	stream.indirect_vreg.gather [hbm4b:s1+s6], $0x80, v12, vm0, $0xb8;
	[tilespmem:$0x10300] =	vst v63  }
0x44: {  	s31 =	simm.s32 $0x2A00  }
0x45: {  	[tilespmem:s31], [sflag:$0x1] =	stream.indirect_vreg.gather [hbm4b:s9+s6], $0x80, v12, vm0, $0xb8;
	[tilespmem:$0x10300] =	vst v63  }
0x46: {  	s3 =	simm.s32 $0x3200  }
0x47: {  	[tilespmem:s3], [sflag:$0x1] =	stream.indirect_vreg.gather [hbm4b:s1+s6], $0x80, v11, vm0, $0xb8;
	[tilespmem:$0x10300] =	vst v63  }
0x48: {  	s4 =	simm.s32 $0x3A00  }
0x49: {  	[tilespmem:s4], [sflag:$0x1] =	stream.indirect_vreg.gather [hbm4b:s9+s6], $0x80, v11, vm0, $0xb8;
	[tilespmem:$0x10300] =	vst v63  }
0x4a: {  	v11 =	vld [tilespmem:$0x20];
	_ =	sdelay $0x4  }
0x4b: {  	v62 =	vshll.u32 v11, $0x2  }
0x4c: {  	v11 =	vand.u32 $0x7, v11;
	v12 =	vand.u32 $0xFFFFFFE0, v62  }
0x4d: {  	v11 =	vor.u32 v11, v12  }
0x4e: {  	v12 =	vperm.xlane v11, v0;
	_ =	sdelay $0x1  }
0x4f: {  	v12 =	vadd.s32 v1, v12;
	_ =	sdelay $0x1  }
0x50: {  	v11 =	vperm.xlane v11, v2;
	_ =	sdelay $0x1  }
0x51: {  	s13 =	simm.s32 $0x4200;
	v11 =	vadd.s32 v1, v11  }
0x52: {  	[tilespmem:s13], [sflag:$0x1] =	stream.indirect_vreg.gather [hbm4b:s1+s6], $0x80, v12, vm0, $0xb8;
	[tilespmem:$0x10300] =	vst v63  }
0x53: {  	s14 =	simm.s32 $0x4A00  }
0x54: {  	[tilespmem:s14], [sflag:$0x1] =	stream.indirect_vreg.gather [hbm4b:s9+s6], $0x80, v12, vm0, $0xb8;
	[tilespmem:$0x10300] =	vst v63  }
0x55: {  	s25 =	simm.s32 $0x5200  }
0x56: {  	[tilespmem:s25], [sflag:$0x1] =	stream.indirect_vreg.gather [hbm4b:s1+s6], $0x80, v11, vm0, $0xb8;
	[tilespmem:$0x10300] =	vst v63  }
0x57: {  	s26 =	simm.s32 $0x5A00  }
0x58: {  	[tilespmem:s26], [sflag:$0x1] =	stream.indirect_vreg.gather [hbm4b:s9+s6], $0x80, v11, vm0, $0xb8;
	[tilespmem:$0x10300] =	vst v63  }
0x59: {  	v11 =	vld [tilespmem:$0x30];
	_ =	sdelay $0x4  }
0x5a: {  	v63 =	vshll.u32 v11, $0x2  }
0x5b: {  	v11 =	vand.u32 $0x7, v11;
	v12 =	vand.u32 $0xFFFFFFE0, v63  }
0x5c: {  	v11 =	vor.u32 v11, v12  }
0x5d: {  	v12 =	vperm.xlane v11, v0;
	_ =	sdelay $0x1  }
0x5e: {  	v12 =	vadd.s32 v1, v12;
	_ =	sdelay $0x1  }
0x5f: {  	v11 =	vperm.xlane v11, v2;
	_ =	sdelay $0x1  }
0x60: {  	s28 =	simm.s32 $0x6200;
	v11 =	vadd.s32 v1, v11  }
0x61: {  	[tilespmem:s28], [sflag:$0x1] =	stream.indirect_vreg.gather [hbm4b:s1+s6], $0x80, v12, vm0, $0xb8;
	[tilespmem:$0x10300] =	vst v63  }
0x62: {  	s29 =	simm.s32 $0x6A00  }
0x63: {  	[tilespmem:s29], [sflag:$0x1] =	stream.indirect_vreg.gather [hbm4b:s9+s6], $0x80, v12, vm0, $0xb8;
	[tilespmem:$0x10300] =	vst v63  }
0x64: {  	s30 =	simm.s32 $0x7200  }
0x65: {  	[tilespmem:s30], [sflag:$0x1] =	stream.indirect_vreg.gather [hbm4b:s1+s6], $0x80, v11, vm0, $0xb8;
	[tilespmem:$0x10300] =	vst v63  }
0x66: {  	s31 =	simm.s32 $0x7A00;
	s25 =	simm.s32 $0x0  }
0x67: {  	[tilespmem:s31], [sflag:$0x1] =	stream.indirect_vreg.gather [hbm4b:s9+s6], $0x80, v11, vm0, $0xb8;
	[tilespmem:$0x10300] =	vst v63  }
.LBB2_2:
0x68: {  	p0 =	seq.s32 s25, $0x0  }
0x69: {  	s2 =	simm.s32 @!p0 $0x4  }
0x6a: {  	_ =	swait.ge @!p0 [sflag:s2], $0x8000  }
0x6b: {  	[sflag:s2] =	ssyncset.done @!p0 $0x0  }
0x6c: {  	s26 =	sshll.u32 s25, $0x7;
	[sflag:s2] =	ssyncadd.s32 @!p0 $0xFFFF8000  }
0x6d: {  	v11 =	vld [tilespmem:s26+$0x40];
	_ =	sdelay $0x4  }
0x6e: {  	v12 =	vshll.u32 v11, $0x2  }
0x6f: {  	v11 =	vand.u32 $0x7, v11;
	v12 =	vand.u32 $0xFFFFFFE0, v12  }
0x70: {  	v11 =	vor.u32 v11, v12  }
0x71: {  	v12 =	vperm.xlane v11, v0;
	_ =	sdelay $0x1  }
0x72: {  	v12 =	vadd.s32 v1, v12;
	_ =	sdelay $0x1  }
0x73: {  	v11 =	vperm.xlane v11, v2;
	_ =	sdelay $0x1  }
0x74: {  	s29 =	simm.s32 $0x0;
	v11 =	vadd.s32 v1, v11  }
0x75: {  	[tilespmem:s0], [sflag:$0x2] =	stream.indirect_vreg.gather [hbm4b:s1+s29], $0x80, v12, vm0, $0xb8;
	[tilespmem:$0x10300] =	vst v63  }
0x76: {  	s3 =	simm.s32 $0x8A00  }
0x77: {  	[tilespmem:s3], [sflag:$0x2] =	stream.indirect_vreg.gather [hbm4b:s9+s29], $0x80, v12, vm0, $0xb8;
	[tilespmem:$0x10300] =	vst v63  }
0x78: {  	s4 =	simm.s32 $0x9200  }
0x79: {  	[tilespmem:s4], [sflag:$0x2] =	stream.indirect_vreg.gather [hbm4b:s1+s29], $0x80, v11, vm0, $0xb8;
	[tilespmem:$0x10300] =	vst v63  }
0x7a: {  	s13 =	simm.s32 $0x9A00  }
0x7b: {  	[tilespmem:s13], [sflag:$0x2] =	stream.indirect_vreg.gather [hbm4b:s9+s29], $0x80, v11, vm0, $0xb8;
	[tilespmem:$0x10300] =	vst v63  }
0x7c: {  	v11 =	vld [tilespmem:s26+$0x50];
	_ =	sdelay $0x4  }
0x7d: {  	v61 =	vshll.u32 v11, $0x2  }
0x7e: {  	v11 =	vand.u32 $0x7, v11;
	v12 =	vand.u32 $0xFFFFFFE0, v61  }
0x7f: {  	v11 =	vor.u32 v11, v12  }
0x80: {  	v12 =	vperm.xlane v11, v0;
	_ =	sdelay $0x1  }
0x81: {  	v12 =	vadd.s32 v1, v12;
	_ =	sdelay $0x1  }
0x82: {  	v11 =	vperm.xlane v11, v2;
	_ =	sdelay $0x1  }
0x83: {  	s14 =	simm.s32 $0xA200;
	v11 =	vadd.s32 v1, v11  }
0x84: {  	[tilespmem:s14], [sflag:$0x2] =	stream.indirect_vreg.gather [hbm4b:s1+s29], $0x80, v12, vm0, $0xb8;
	[tilespmem:$0x10300] =	vst v63  }
0x85: {  	s31 =	simm.s32 $0xAA00  }
0x86: {  	[tilespmem:s31], [sflag:$0x2] =	stream.indirect_vreg.gather [hbm4b:s9+s29], $0x80, v12, vm0, $0xb8;
	[tilespmem:$0x10300] =	vst v63  }
0x87: {  	_ = 	snop  }
0x88: {  	[tilespmem:s8], [sflag:$0x2] =	stream.indirect_vreg.gather [hbm4b:s1+s29], $0x80, v11, vm0, $0xb8;
	[tilespmem:$0x10300] =	vst v63  }
0x89: {  	_ = 	snop  }
0x8a: {  	[tilespmem:s11], [sflag:$0x2] =	stream.indirect_vreg.gather [hbm4b:s9+s29], $0x80, v11, vm0, $0xb8;
	[tilespmem:$0x10300] =	vst v63  }
0x8b: {  	v11 =	vld [tilespmem:s26+$0x60];
	_ =	sdelay $0x4  }
0x8c: {  	v62 =	vshll.u32 v11, $0x2  }
0x8d: {  	v11 =	vand.u32 $0x7, v11;
	v12 =	vand.u32 $0xFFFFFFE0, v62  }
0x8e: {  	v11 =	vor.u32 v11, v12  }
0x8f: {  	v12 =	vperm.xlane v11, v0;
	_ =	sdelay $0x1  }
0x90: {  	v12 =	vadd.s32 v1, v12;
	_ =	sdelay $0x1  }
0x91: {  	v11 =	vperm.xlane v11, v2;
	_ =	sdelay $0x1  }
0x92: {  	v11 =	vadd.s32 v1, v11  }
0x93: {  	[tilespmem:s12], [sflag:$0x2] =	stream.indirect_vreg.gather [hbm4b:s1+s29], $0x80, v12, vm0, $0xb8;
	[tilespmem:$0x10300] =	vst v63  }
0x94: {  	_ = 	snop  }
0x95: {  	[tilespmem:s5], [sflag:$0x2] =	stream.indirect_vreg.gather [hbm4b:s9+s29], $0x80, v12, vm0, $0xb8;
	[tilespmem:$0x10300] =	vst v63  }
0x96: {  	_ = 	snop  }
0x97: {  	[tilespmem:s16], [sflag:$0x2] =	stream.indirect_vreg.gather [hbm4b:s1+s29], $0x80, v11, vm0, $0xb8;
	[tilespmem:$0x10300] =	vst v63  }
0x98: {  	_ = 	snop  }
0x99: {  	[tilespmem:s17], [sflag:$0x2] =	stream.indirect_vreg.gather [hbm4b:s9+s29], $0x80, v11, vm0, $0xb8;
	[tilespmem:$0x10300] =	vst v63  }
0x9a: {  	v11 =	vld [tilespmem:s26+$0x70];
	_ =	sdelay $0x4  }
0x9b: {  	v63 =	vshll.u32 v11, $0x2  }
0x9c: {  	v11 =	vand.u32 $0x7, v11;
	v12 =	vand.u32 $0xFFFFFFE0, v63  }
0x9d: {  	v11 =	vor.u32 v11, v12  }
0x9e: {  	v12 =	vperm.xlane v11, v0;
	_ =	sdelay $0x1  }
0x9f: {  	v12 =	vadd.s32 v1, v12;
	_ =	sdelay $0x1  }
0xa0: {  	v11 =	vperm.xlane v11, v2;
	_ =	sdelay $0x1  }
0xa1: {  	v11 =	vadd.s32 v1, v11  }
0xa2: {  	[tilespmem:s18], [sflag:$0x2] =	stream.indirect_vreg.gather [hbm4b:s1+s29], $0x80, v12, vm0, $0xb8;
	[tilespmem:$0x10300] =	vst v63  }
0xa3: {  	_ = 	snop  }
0xa4: {  	[tilespmem:s19], [sflag:$0x2] =	stream.indirect_vreg.gather [hbm4b:s9+s29], $0x80, v12, vm0, $0xb8;
	[tilespmem:$0x10300] =	vst v63  }
0xa5: {  	_ = 	snop  }
0xa6: {  	[tilespmem:s20], [sflag:$0x2] =	stream.indirect_vreg.gather [hbm4b:s1+s29], $0x80, v11, vm0, $0xb8;
	[tilespmem:$0x10300] =	vst v63  }
0xa7: {  	_ = 	snop  }
0xa8: {  	[tilespmem:s21], [sflag:$0x2] =	stream.indirect_vreg.gather [hbm4b:s9+s29], $0x80, v11, vm0, $0xb8;
	[tilespmem:$0x10300] =	vst v63  }
0xa9: {  	_ =	swait.ge [sflag:s22], $0x8000  }
0xaa: {  	[sflag:s22] =	ssyncset.done $0x0  }
0xab: {  	s30 =	simm.s32 $0x0;
	s28 =	sor.u32 $0x40, s26;
	[sflag:s22] =	ssyncadd.s32 $0xFFFF8000  }
.LBB2_3:
0xac: {  	s2 =	sand.u32 $0x7000, s30;
	s3 =	sand.u32 $0x380, s29  }
0xad: {  	s31 =	sor.u32 s3, s2  }
0xae: {  	v15 =	vld [tilespmem:s31+$0x200]  }
0xaf: {  	v17 =	vld [tilespmem:s31+$0x210];
	_ =	sdelay $0x1  }
0xb0: {  	v14 =	vld [tilespmem:s31+$0x220];
	_ =	sdelay $0x1  }
0xb1: {  	v12 =	vld [tilespmem:s31+$0x230]  }
0xb2: {  	v11 =	vmul.f32 v15, v15;
	v13 =	vmul.f32 v17, v17  }
0xb3: {  	v16 =	vadd.f32 v17, v15  }
0xb4: {  	v39 =	vmul.f32 v14, v14;
	v11 =	vadd.f32 v13, v11  }
0xb5: {  	v16 =	vadd.f32 v14, v16  }
0xb6: {  	v40 =	vmul.f32 v12, v12;
	v11 =	vadd.f32 v39, v11  }
0xb7: {  	v23 =	vld [tilespmem:s31+$0x240];
	v16 =	vadd.f32 v12, v16  }
0xb8: {  	v37 =	vld [tilespmem:s31+$0x250];
	v11 =	vadd.f32 v40, v11  }
0xb9: {  	(xrf2) =	vadd.scan.msk.f32 $0xffff, v16  }
0xba: {  	v36 =	vld [tilespmem:s31+$0x260];
	(xrf2) =	vadd.scan.msk.f32 $0xffff, v11;
	_ =	sdelay $0x1  }
0xbb: {  	v35 =	vld [tilespmem:s31+$0x270]  }
0xbc: {  	v41 =	vmul.f32 v37, v37;
	v11 =	vmul.f32 v23, v23  }
0xbd: {  	v28 =	vld [tilespmem:s31+$0x600];
	v42 =	vadd.f32 v37, v23  }
0xbe: {  	v31 =	vld [tilespmem:s31+$0x610];
	v43 =	vmul.f32 v36, v36;
	v11 =	vadd.f32 v41, v11  }
0xbf: {  	v16 =	vadd.f32 v36, v42  }
0xc0: {  	v21 =	vld [tilespmem:s31+$0x620];
	v44 =	vmul.f32 v35, v35;
	v11 =	vadd.f32 v43, v11  }
0xc1: {  	v16 =	vadd.f32 v35, v16  }
0xc2: {  	v26 =	vld [tilespmem:s31+$0x630];
	v11 =	vadd.f32 v44, v11;
	v18, _, _ =	vpop (xrf2)  }
0xc3: {  	v46 =	vmul.f32 v28, v28;
	v47 =	vmul.f32 v31, v31;
	(xrf2) =	vadd.scan.msk.f32 $0xffff, v16;
	(v2sf) =	vpush v18, $0xF;
	v45, _, _ =	vpop (xrf2)  }
0xc4: {  	(xrf2) =	vadd.scan.msk.f32 $0xffff, v11;
	v11 =	vadd.f32 v31, v28;
	(v2sf) =	vpush v45, $0xF  }
0xc5: {  	v27 =	vld [tilespmem:s31+$0x640];
	v48 =	vmul.f32 v21, v21;
	v13 =	vadd.f32 v47, v46  }
0xc6: {  	v29 =	vld [tilespmem:s31+$0x650];
	v11 =	vadd.f32 v21, v11  }
0xc7: {  	v49 =	vmul.f32 v26, v26;
	v13 =	vadd.f32 v48, v13  }
0xc8: {  	v32 =	vld [tilespmem:s31+$0x660];
	v11 =	vadd.f32 v26, v11  }
0xc9: {  	v13 =	vadd.f32 v49, v13  }
0xca: {  	v34 =	vld [tilespmem:s31+$0x670];
	(xrf2) =	vadd.scan.msk.f32 $0xffff, v11  }
0xcb: {  	v20 =	vld [tilespmem:s31+$0xA00];
	v50 =	vmul.f32 v29, v29;
	v11 =	vmul.f32 v27, v27;
	(xrf2) =	vadd.scan.msk.f32 $0xffff, v13  }
0xcc: {  	v24 =	vld [tilespmem:s31+$0xA10];
	v51 =	vadd.f32 v29, v27  }
0xcd: {  	v30 =	vld [tilespmem:s31+$0xA20];
	v53 =	vmul.f32 v32, v32;
	v52, _, _ =	vpop (xrf2);
	v11 =	vadd.f32 v50, v11  }
0xce: {  	v19 =	vld [tilespmem:s31+$0xA50];
	v16 =	vadd.f32 v32, v51;
	(v2sf) =	vpush v52, $0xF;
	v54, _, _ =	vpop (xrf2)  }
0xcf: {  	v55 =	vmul.f32 v34, v34;
	v18 =	vld [tilespmem:s31+$0xA40];
	v11 =	vadd.f32 v53, v11;
	(v2sf) =	vpush v54, $0xF  }
0xd0: {  	v16 =	vadd.f32 v34, v16  }
0xd1: {  	v33 =	vld [tilespmem:s31+$0xA30];
	v11 =	vadd.f32 v55, v11  }
0xd2: {  	v22 =	vld [tilespmem:s31+$0xA60];
	v56 =	vmul.f32 v20, v20;
	v57 =	vmul.f32 v24, v24;
	(xrf2) =	vadd.scan.msk.f32 $0xffff, v16;
	s13 =	spop (v2sf)  }
0xd3: {  	(xrf2) =	vadd.scan.msk.f32 $0xffff, v11;
	v11 =	vadd.f32 v24, v20;
	s4 =	smul.f32 $1.562500000e-02, s13;
	s14 =	spop (v2sf)  }
0xd4: {  	v25 =	vld [tilespmem:s31+$0xA70];
	v59 =	vmul.f32 v30, v30;
	v45 =	vadd.f32 v19, v18;
	v13 =	vadd.f32 v57, v56;
	v58, _, _ =	vpop (xrf2);
	s13 =	smul.f32 $1.562500000e-02, s14  }
0xd5: {  	v11 =	vadd.f32 v30, v11;
	s14 =	smul.f32 s4, s4;
	(v2sf) =	vpush v58, $0xF;
	v60, _, _ =	vpop (xrf2)  }
0xd6: {  	v61 =	vmul.f32 v33, v33;
	v13 =	vadd.f32 v59, v13;
	(v2sf) =	vpush v60, $0xF  }
0xd7: {  	v16 =	vadd.f32 v22, v45;
	v11 =	vadd.f32 v33, v11;
	s2 =	ssub.f32 s13, s14  }
0xd8: {  	v46 =	vmul.f32 v22, v22;
	v13 =	vadd.f32 v61, v13  }
0xd9: {  	v39 =	vmul.f32 v19, v19;
	v16 =	vadd.f32 v25, v16;
	v42 =	vmov s4;
	(xrf2) =	vadd.scan.msk.f32 $0xffff, v11;
	s2 =	sadd.f32 $9.999999740e-06, s2  }
0xda: {  	v44 =	vmul.f32 v18, v18;
	v48 =	vsub.f32 v15, v42;
	v17 =	vsub.f32 v17, v42;
	(xrf2) =	vadd.scan.msk.f32 $0xffff, v13  }
0xdb: {  	v15 =	vld [tilespmem:s31+$0xE20];
	v14 =	vsub.f32 v14, v42;
	v42 =	vsub.f32 v12, v42;
	v11 =	vmov s2  }
0xdc: {  	v12 =	vld [tilespmem:s31+$0xE40];
	v13 =	vadd.f32 v39, v44;
	v62 =	vshrl.u32 v11, $0x1;
	v11 =	vmul.f32 $5.000000000e-01, v11  }
0xdd: {  	v63, _, _ =	vpop (xrf2);
	(xrf2) =	vadd.scan.msk.f32 $0xffff, v16;
	v16 =	vld [tilespmem:s31+$0xE30];
	s13 =	spop (v2sf);
	v38 =	vsub.s32 $0x5F3759DF, v62  }
0xde: {  	v39 =	vadd.f32 v46, v13;
	v13 =	vld [tilespmem:s31+$0xE10];
	s2 =	smul.f32 $1.562500000e-02, s13;
	v11 =	vmul.f32 v38, v11;
	s14 =	spop (v2sf)  }
0xdf: {  	v41 =	vmul.f32 v25, v25;
	s3 =	smul.f32 $1.562500000e-02, s14  }
0xe0: {  	v53 =	vmul.f32 v15, v15;
	v40, _, _ =	vpop (xrf2);
	(v2sf) =	vpush v63, $0xF;
	s13 =	smul.f32 s2, s2;
	v47 =	vmul.f32 v38, v11;
	v11 =	vld [tilespmem:s31+$0xE00]  }
0xe1: {  	v39 =	vadd.f32 v41, v39;
	v62 =	vmul.f32 v12, v12;
	(v2sf) =	vpush v40, $0xF  }
0xe2: {  	v54 =	vmul.f32 v16, v16;
	v60 =	vmov s2;
	s3 =	ssub.f32 s3, s13;
	v40 =	vsub.f32 $1.500000000e+00, v47  }
0xe3: {  	(xrf2) =	vadd.scan.msk.f32 $0xffff, v39;
	v43 =	vmul.f32 v13, v13;
	v61 =	vsub.f32 v23, v60;
	v37 =	vsub.f32 v37, v60;
	v49, _, _ =	vpop (xrf2)  }
0xe4: {  	v36 =	vsub.f32 v36, v60;
	s4 =	sadd.f32 $9.999999740e-06, s3;
	v50, _, _ =	vpop (xrf2);
	v38 =	vmul.f32 v38, v40;
	s13 =	spop (v2sf);
	(v2sf) =	vpush v49, $0xF  }
0xe5: {  	v35 =	vsub.f32 v35, v60;
	s14 =	spop (v2sf);
	(v2sf) =	vpush v50, $0xF;
	v52 =	vmul.f32 v11, v11  }
0xe6: {  	v51 =	vmov s4;
	v45 =	vadd.f32 v13, v11;
	v39 =	vmul.f32 v38, v48  }
0xe7: {  	v44 =	vshrl.u32 v51, $0x1;
	v40 =	vmul.f32 $5.000000000e-01, v51;
	v41 =	vadd.f32 v43, v52  }
0xe8: {  	s3 =	smul.f32 $1.562500000e-02, s13;
	v46 =	vmul.f32 v38, v17;
	v47 =	vmul.f32 v38, v14;
	v45 =	vadd.f32 v15, v45  }
0xe9: {  	v38 =	vmul.f32 v38, v42;
	v44 =	vsub.s32 $0x5F3759DF, v44;
	v41 =	vadd.f32 v53, v41  }
0xea: {  	v14 =	vld [tilespmem:s31+$0xE50];
	v52 =	vmov s3;
	v40 =	vmul.f32 v44, v40;
	v45 =	vadd.f32 v16, v45  }
0xeb: {  	v23 =	vld [tilespmem:s31+$0xE70];
	s13 =	smul.f32 $1.562500000e-02, s14;
	v39 =	vmul.f32 v39, v3;
	v28 =	vsub.f32 v28, v52;
	v55 =	vadd.f32 v54, v41  }
0xec: {  	v57, _, _ =	vpop (xrf2);
	v17 =	vld [tilespmem:s31+$0xE60];
	s14 =	smul.f32 s3, s3;
	v46 =	vmul.f32 v46, v4;
	v31 =	vsub.f32 v31, v52;
	v21 =	vsub.f32 v21, v52;
	(xrf2) =	vadd.scan.msk.f32 $0xffff, v45  }
0xed: {  	v26 =	vsub.f32 v26, v52;
	v52 =	vmul.f32 v47, v5;
	v59, _, _ =	vpop (xrf2);
	v40 =	vmul.f32 v44, v40;
	(xrf2) =	vadd.scan.msk.f32 $0xffff, v55  }
0xee: {  	v38 =	vmul.f32 v38, v6;
	s4 =	ssub.f32 s13, s14;
	v39 =	vadd.f32 v39, v7;
	v50 =	vadd.f32 v46, v8  }
0xef: {  	v46 =	vadd.f32 v52, v9;
	v48 =	vmul.f32 v14, v14;
	v40 =	vsub.f32 $1.500000000e+00, v40  }
0xf0: {  	v53 =	vmul.f32 v23, v23;
	s4 =	sadd.f32 $9.999999740e-06, s4;
	s13 =	spop (v2sf);
	(v2sf) =	vpush v57, $0xF;
	v49 =	vadd.f32 v14, v12  }
0xf1: {  	v63 =	vmul.f32 v17, v17;
	v40 =	vmul.f32 v44, v40;
	v44 =	vadd.f32 v48, v62  }
0xf2: {  	v56 =	vmov s4;
	s14 =	spop (v2sf);
	s4 =	smul.f32 $1.562500000e-02, s13;
	(v2sf) =	vpush v59, $0xF;
	v49 =	vadd.f32 v17, v49  }
0xf3: {  	v58 =	vshrl.u32 v56, $0x1;
	v41 =	vmul.f32 $5.000000000e-01, v56;
	s13 =	smul.f32 $1.562500000e-02, s14;
	v44 =	vadd.f32 v63, v44  }
0xf4: {  	v38 =	vadd.f32 v38, v10;
	v43 =	vsub.s32 $0x5F3759DF, v58;
	s14 =	smul.f32 s4, s4;
	v49 =	vadd.f32 v23, v49  }
0xf5: {  	v41 =	vmul.f32 v43, v41;
	v42 =	vmul.f32 v40, v61;
	v44 =	vadd.f32 v53, v44  }
0xf6: {  	v62 =	vmov s4;
	v37 =	vmul.f32 v40, v37;
	v36 =	vmul.f32 v40, v36;
	s2 =	ssub.f32 s13, s14;
	v55, _, _ =	vpop (xrf2);
	(xrf2) =	vadd.scan.msk.f32 $0xffff, v49  }
0xf7: {  	v35 =	vmul.f32 v40, v35;
	v27 =	vsub.f32 v27, v62;
	v29 =	vsub.f32 v29, v62;
	v56, _, _ =	vpop (xrf2);
	(xrf2) =	vadd.scan.msk.f32 $0xffff, v44  }
0xf8: {  	v32 =	vsub.f32 v32, v62;
	v34 =	vsub.f32 v34, v62;
	v41 =	vmul.f32 v43, v41;
	s13 =	sadd.f32 $9.999999740e-06, s2;
	s2 =	spop (v2sf)  }
0xf9: {  	v42 =	vmul.f32 v42, v3;
	v37 =	vmul.f32 v37, v4;
	s14 =	spop (v2sf);
	s2 =	smul.f32 $1.562500000e-02, s2;
	(v2sf) =	vpush v55, $0xF  }
0xfa: {  	v36 =	vmul.f32 v36, v5;
	v41 =	vsub.f32 $1.500000000e+00, v41;
	s3 =	smul.f32 $1.562500000e-02, s14;
	(v2sf) =	vpush v56, $0xF  }
0xfb: {  	v35 =	vmul.f32 v35, v6;
	v42 =	vadd.f32 v42, v7;
	v37 =	vadd.f32 v37, v8;
	s14 =	smul.f32 s2, s2  }
0xfc: {  	v36 =	vadd.f32 v36, v9;
	v54 =	vmov s13;
	v41 =	vmul.f32 v43, v41  }
0xfd: {  	v57 =	vshrl.u32 v54, $0x1;
	v43 =	vmul.f32 $5.000000000e-01, v54;
	v53 =	vmov s2;
	s3 =	ssub.f32 s3, s14  }
0xfe: {  	v35 =	vadd.f32 v35, v10;
	v58 =	vsub.s32 $0x5F3759DF, v57;
	v20 =	vsub.f32 v20, v53  }
0xff: {  	v24 =	vsub.f32 v24, v53;
	v59 =	vmul.f32 v58, v43;
	v28 =	vmul.f32 v41, v28;
	s3 =	sadd.f32 $9.999999740e-06, s3  }
0x100: {  	v30 =	vsub.f32 v30, v53;
	v31 =	vmul.f32 v41, v31;
	v21 =	vmul.f32 v41, v21;
	s13 =	spop (v2sf);
	v63, _, _ =	vpop (xrf2)  }
0x101: {  	v26 =	vmul.f32 v41, v26;
	v60 =	vmov s3;
	s14 =	spop (v2sf);
	s3 =	smul.f32 $1.562500000e-02, s13;
	(v2sf) =	vpush v63, $0xF;
	v51, _, _ =	vpop (xrf2)  }
0x102: {  	v40 =	vmul.f32 v58, v59;
	v28 =	vmul.f32 v28, v3;
	s13 =	smul.f32 $1.562500000e-02, s14;
	(v2sf) =	vpush v51, $0xF  }
0x103: {  	v33 =	vsub.f32 v33, v53;
	v31 =	vmul.f32 v31, v4;
	v21 =	vmul.f32 v21, v5;
	s14 =	smul.f32 s3, s3  }
0x104: {  	v26 =	vmul.f32 v26, v6;
	v40 =	vsub.f32 $1.500000000e+00, v40;
	v28 =	vadd.f32 v28, v7  }
0x105: {  	v31 =	vadd.f32 v31, v8;
	v61 =	vshrl.u32 v60, $0x1;
	v43 =	vmul.f32 $5.000000000e-01, v60;
	s4 =	ssub.f32 s13, s14  }
0x106: {  	v21 =	vadd.f32 v21, v9;
	v26 =	vadd.f32 v26, v10;
	v45 =	vsub.s32 $0x5F3759DF, v61  }
0x107: {  	v40 =	vmul.f32 v58, v40;
	v57 =	vmov s3;
	v43 =	vmul.f32 v45, v43;
	s4 =	sadd.f32 $9.999999740e-06, s4  }
0x108: {  	v18 =	vsub.f32 v18, v57;
	v19 =	vsub.f32 v19, v57;
	s13 =	spop (v2sf)  }
0x109: {  	v27 =	vmul.f32 v40, v27;
	v43 =	vmul.f32 v45, v43;
	v54 =	vmov s4;
	s4 =	smul.f32 $1.562500000e-02, s13;
	s14 =	spop (v2sf)  }
0x10a: {  	v22 =	vsub.f32 v22, v57;
	v29 =	vmul.f32 v40, v29;
	v32 =	vmul.f32 v40, v32;
	s13 =	smul.f32 $1.562500000e-02, s14  }
0x10b: {  	v34 =	vmul.f32 v40, v34;
	v27 =	vmul.f32 v27, v3;
	v43 =	vsub.f32 $1.500000000e+00, v43;
	s14 =	smul.f32 s4, s4  }
0x10c: {  	v25 =	vsub.f32 v25, v57;
	v29 =	vmul.f32 v29, v4;
	v32 =	vmul.f32 v32, v5  }
0x10d: {  	v43 =	vmul.f32 v45, v43;
	v55 =	vshrl.u32 v54, $0x1;
	v45 =	vmul.f32 $5.000000000e-01, v54;
	s2 =	ssub.f32 s13, s14  }
0x10e: {  	[tilespmem:s31+$0x240] =	vst v42;
	v42 =	vmul.f32 v34, v6;
	v27 =	vadd.f32 v27, v7;
	v44 =	vsub.s32 $0x5F3759DF, v55  }
0x10f: {  	[tilespmem:s31+$0x200] =	vst v39;
	v29 =	vadd.f32 v29, v8;
	v45 =	vmul.f32 v44, v45;
	v20 =	vmul.f32 v43, v20;
	s2 =	sadd.f32 $9.999999740e-06, s2  }
0x110: {  	[tilespmem:s31+$0x600] =	vst v28;
	v28 =	vadd.f32 v42, v10;
	v24 =	vmul.f32 v43, v24;
	v30 =	vmul.f32 v43, v30;
	s3 =	spop (v2sf)  }
0x111: {  	[tilespmem:s31+$0x210] =	vst v50;
	v33 =	vmul.f32 v43, v33;
	v41 =	vmov s4;
	v58 =	vmov s2;
	s2 =	smul.f32 $1.562500000e-02, s3;
	s13 =	spop (v2sf)  }
0x112: {  	[tilespmem:s31+$0x220] =	vst v46;
	v45 =	vmul.f32 v44, v45;
	v11 =	vsub.f32 v11, v41;
	v13 =	vsub.f32 v13, v41;
	s3 =	smul.f32 $1.562500000e-02, s13  }
0x113: {  	[tilespmem:s31+$0x230] =	vst v38;
	v20 =	vmul.f32 v20, v3;
	v15 =	vsub.f32 v15, v41;
	v16 =	vsub.f32 v16, v41;
	s14 =	smul.f32 s2, s2  }
0x114: {  	[tilespmem:s31+$0x250] =	vst v37;
	v24 =	vmul.f32 v24, v4;
	v47 =	vmul.f32 v30, v5;
	v56 =	vsub.f32 $1.500000000e+00, v45  }
0x115: {  	[tilespmem:s31+$0x260] =	vst v36;
	v48 =	vmul.f32 v33, v6;
	v45 =	vadd.f32 v32, v9;
	v20 =	vadd.f32 v20, v7;
	s3 =	ssub.f32 s3, s14  }
0x116: {  	[tilespmem:s31+$0x270] =	vst v35;
	v40 =	vmul.f32 v44, v56;
	v59 =	vshrl.u32 v58, $0x1;
	v44 =	vmul.f32 $5.000000000e-01, v58  }
0x117: {  	[tilespmem:s31+$0x610] =	vst v31;
	v24 =	vadd.f32 v24, v8;
	v49 =	vadd.f32 v47, v9;
	v60 =	vsub.s32 $0x5F3759DF, v59;
	s3 =	sadd.f32 $9.999999740e-06, s3  }
0x118: {  	[tilespmem:s31+$0x620] =	vst v21;
	v51 =	vadd.f32 v48, v10;
	v18 =	vmul.f32 v40, v18;
	v61 =	vmul.f32 v60, v44  }
0x119: {  	[tilespmem:s31+$0x630] =	vst v26;
	v19 =	vmul.f32 v40, v19;
	v22 =	vmul.f32 v40, v22;
	v43 =	vmov s3  }
0x11a: {  	[tilespmem:s31+$0x640] =	vst v27;
	v62 =	vmul.f32 v60, v61;
	v44 =	vshrl.u32 v43, $0x1;
	v31 =	vmul.f32 $5.000000000e-01, v43  }
0x11b: {  	[tilespmem:s31+$0x650] =	vst v29;
	v25 =	vmul.f32 v40, v25;
	v18 =	vmul.f32 v18, v3;
	v21 =	vsub.s32 $0x5F3759DF, v44  }
0x11c: {  	[tilespmem:s31+$0x670] =	vst v28;
	v19 =	vmul.f32 v19, v4;
	v63 =	vsub.f32 $1.500000000e+00, v62;
	v46 =	vmul.f32 v21, v31  }
0x11d: {  	[tilespmem:s31+$0x660] =	vst v45;
	v22 =	vmul.f32 v22, v5;
	v53 =	vmov s2;
	v18 =	vadd.f32 v18, v7  }
0x11e: {  	[tilespmem:s31+$0xA00] =	vst v20;
	v19 =	vadd.f32 v19, v8;
	v40 =	vmul.f32 v60, v63;
	v27 =	vmul.f32 v21, v46  }
0x11f: {  	[tilespmem:s31+$0xA10] =	vst v24;
	v54 =	vmul.f32 v25, v6;
	v22 =	vadd.f32 v22, v9;
	v12 =	vsub.f32 v12, v53  }
0x120: {  	[tilespmem:s31+$0xA20] =	vst v49;
	v14 =	vsub.f32 v14, v53;
	v11 =	vmul.f32 v40, v11;
	v50 =	vsub.f32 $1.500000000e+00, v27  }
0x121: {  	[tilespmem:s31+$0xA30] =	vst v51;
	v17 =	vsub.f32 v17, v53;
	v13 =	vmul.f32 v40, v13;
	v15 =	vmul.f32 v40, v15  }
0x122: {  	v55 =	vsub.f32 v23, v53;
	[tilespmem:s31+$0xA40] =	vst v18;
	v11 =	vmul.f32 v11, v3;
	v52 =	vmul.f32 v21, v50  }
0x123: {  	v56 =	vadd.f32 v54, v10;
	[tilespmem:s31+$0xA50] =	vst v19;
	v16 =	vmul.f32 v40, v16;
	v13 =	vmul.f32 v13, v4  }
0x124: {  	[tilespmem:s31+$0xA60] =	vst v22;
	v15 =	vmul.f32 v15, v5;
	v11 =	vadd.f32 v11, v7;
	v12 =	vmul.f32 v52, v12  }
0x125: {  	[tilespmem:s31+$0xA70] =	vst v56;
	v16 =	vmul.f32 v16, v6;
	v13 =	vadd.f32 v13, v8;
	v14 =	vmul.f32 v52, v14  }
0x126: {  	[tilespmem:s31+$0xE00] =	vst v11;
	v11 =	vadd.f32 v15, v9;
	v59 =	vmul.f32 v52, v55;
	v12 =	vmul.f32 v12, v3  }
0x127: {  	v58 =	vadd.f32 v16, v10;
	[tilespmem:s31+$0xE10] =	vst v13;
	v57 =	vmul.f32 v52, v17;
	v14 =	vmul.f32 v14, v4  }
0x128: {  	p0 =	sne.s32 s30, $0x7E00;
	[tilespmem:s31+$0xE20] =	vst v11;
	v62 =	vmul.f32 v59, v6;
	v11 =	vadd.f32 v12, v7  }
.Ltmp2:
0x129: {  	[tilespmem:s31+$0xE30] =	vst v58;
	v60 =	vmul.f32 v57, v5;
	v61 =	vadd.f32 v14, v8;
	(pc) =	sbr.rel @p0 .LBB2_3-.Ltmp2, $4  }
0x12a: {  	v63 =	vadd.f32 v62, v10;
	[tilespmem:s31+$0xE40] =	vst v11  }
0x12b: {  	v11 =	vadd.f32 v60, v9;
	[tilespmem:s31+$0xE50] =	vst v61  }
0x12c: {  	[tilespmem:s31+$0xE70] =	vst v63  }
0x12d: {  	s29 =	sadd.s32 $0x80, s29;
	s30 =	sadd.s32 $0x200, s30;
	[tilespmem:s31+$0xE60] =	vst v11  }
0x12e: {  	s2 =	sshll.u32 s25, $0xD  }
0x12f: {  	s29 =	simm.s32 $0x0;
	s2 =	sadd.s32 s2, s10  }
0x130: {  	[hbm4b:s2+s29] =	stream.linear.scatter [tilespmem:s15], [sflag:$0x3], $0x8000, $0x38;
	[tilespmem:$0x10300] =	vst v63  }
0x131: {  	_ =	swait.ge [sflag:s23], $0x8000  }
0x132: {  	[sflag:s23] =	ssyncset.done $0x0  }
0x133: {  	s30 =	simm.s32 $0x0;
	[sflag:s23] =	ssyncadd.s32 $0xFFFF8000  }
.LBB2_5:
0x134: {  	s2 =	sand.u32 $0x7000, s30;
	s3 =	sand.u32 $0x380, s29  }
0x135: {  	s31 =	sor.u32 s3, s2  }
0x136: {  	v15 =	vld [tilespmem:s31+$0x8200]  }
0x137: {  	v17 =	vld [tilespmem:s31+$0x8210];
	_ =	sdelay $0x1  }
0x138: {  	v14 =	vld [tilespmem:s31+$0x8220];
	_ =	sdelay $0x1  }
0x139: {  	v12 =	vld [tilespmem:s31+$0x8230]  }
0x13a: {  	v11 =	vmul.f32 v15, v15;
	v13 =	vmul.f32 v17, v17  }
0x13b: {  	v16 =	vadd.f32 v17, v15  }
0x13c: {  	v39 =	vmul.f32 v14, v14;
	v11 =	vadd.f32 v13, v11  }
0x13d: {  	v16 =	vadd.f32 v14, v16  }
0x13e: {  	v40 =	vmul.f32 v12, v12;
	v11 =	vadd.f32 v39, v11  }
0x13f: {  	v23 =	vld [tilespmem:s31+$0x8240];
	v16 =	vadd.f32 v12, v16  }
0x140: {  	v37 =	vld [tilespmem:s31+$0x8250];
	v11 =	vadd.f32 v40, v11  }
0x141: {  	(xrf2) =	vadd.scan.msk.f32 $0xffff, v16  }
0x142: {  	v36 =	vld [tilespmem:s31+$0x8260];
	(xrf2) =	vadd.scan.msk.f32 $0xffff, v11;
	_ =	sdelay $0x1  }
0x143: {  	v35 =	vld [tilespmem:s31+$0x8270]  }
0x144: {  	v41 =	vmul.f32 v37, v37;
	v11 =	vmul.f32 v23, v23  }
0x145: {  	v28 =	vld [tilespmem:s31+$0x8600];
	v42 =	vadd.f32 v37, v23  }
0x146: {  	v31 =	vld [tilespmem:s31+$0x8610];
	v43 =	vmul.f32 v36, v36;
	v11 =	vadd.f32 v41, v11  }
0x147: {  	v16 =	vadd.f32 v36, v42  }
0x148: {  	v21 =	vld [tilespmem:s31+$0x8620];
	v44 =	vmul.f32 v35, v35;
	v11 =	vadd.f32 v43, v11  }
0x149: {  	v16 =	vadd.f32 v35, v16  }
0x14a: {  	v26 =	vld [tilespmem:s31+$0x8630];
	v11 =	vadd.f32 v44, v11;
	v18, _, _ =	vpop (xrf2)  }
0x14b: {  	v46 =	vmul.f32 v28, v28;
	v47 =	vmul.f32 v31, v31;
	(xrf2) =	vadd.scan.msk.f32 $0xffff, v16;
	(v2sf) =	vpush v18, $0xF;
	v45, _, _ =	vpop (xrf2)  }
0x14c: {  	(xrf2) =	vadd.scan.msk.f32 $0xffff, v11;
	v11 =	vadd.f32 v31, v28;
	(v2sf) =	vpush v45, $0xF  }
0x14d: {  	v27 =	vld [tilespmem:s31+$0x8640];
	v48 =	vmul.f32 v21, v21;
	v13 =	vadd.f32 v47, v46  }
0x14e: {  	v29 =	vld [tilespmem:s31+$0x8650];
	v11 =	vadd.f32 v21, v11  }
0x14f: {  	v49 =	vmul.f32 v26, v26;
	v13 =	vadd.f32 v48, v13  }
0x150: {  	v32 =	vld [tilespmem:s31+$0x8660];
	v11 =	vadd.f32 v26, v11  }
0x151: {  	v13 =	vadd.f32 v49, v13  }
0x152: {  	v34 =	vld [tilespmem:s31+$0x8670];
	(xrf2) =	vadd.scan.msk.f32 $0xffff, v11  }
0x153: {  	v20 =	vld [tilespmem:s31+$0x8A00];
	v50 =	vmul.f32 v29, v29;
	v11 =	vmul.f32 v27, v27;
	(xrf2) =	vadd.scan.msk.f32 $0xffff, v13  }
0x154: {  	v24 =	vld [tilespmem:s31+$0x8A10];
	v51 =	vadd.f32 v29, v27  }
0x155: {  	v30 =	vld [tilespmem:s31+$0x8A20];
	v53 =	vmul.f32 v32, v32;
	v52, _, _ =	vpop (xrf2);
	v11 =	vadd.f32 v50, v11  }
0x156: {  	v19 =	vld [tilespmem:s31+$0x8A50];
	v16 =	vadd.f32 v32, v51;
	(v2sf) =	vpush v52, $0xF;
	v54, _, _ =	vpop (xrf2)  }
0x157: {  	v55 =	vmul.f32 v34, v34;
	v18 =	vld [tilespmem:s31+$0x8A40];
	v11 =	vadd.f32 v53, v11;
	(v2sf) =	vpush v54, $0xF  }
0x158: {  	v16 =	vadd.f32 v34, v16  }
0x159: {  	v33 =	vld [tilespmem:s31+$0x8A30];
	v11 =	vadd.f32 v55, v11  }
0x15a: {  	v22 =	vld [tilespmem:s31+$0x8A60];
	v56 =	vmul.f32 v20, v20;
	v57 =	vmul.f32 v24, v24;
	(xrf2) =	vadd.scan.msk.f32 $0xffff, v16;
	s13 =	spop (v2sf)  }
0x15b: {  	(xrf2) =	vadd.scan.msk.f32 $0xffff, v11;
	v11 =	vadd.f32 v24, v20;
	s4 =	smul.f32 $1.562500000e-02, s13;
	s14 =	spop (v2sf)  }
0x15c: {  	v25 =	vld [tilespmem:s31+$0x8A70];
	v59 =	vmul.f32 v30, v30;
	v45 =	vadd.f32 v19, v18;
	v13 =	vadd.f32 v57, v56;
	v58, _, _ =	vpop (xrf2);
	s13 =	smul.f32 $1.562500000e-02, s14  }
0x15d: {  	v11 =	vadd.f32 v30, v11;
	s14 =	smul.f32 s4, s4;
	(v2sf) =	vpush v58, $0xF;
	v60, _, _ =	vpop (xrf2)  }
0x15e: {  	v61 =	vmul.f32 v33, v33;
	v13 =	vadd.f32 v59, v13;
	(v2sf) =	vpush v60, $0xF  }
0x15f: {  	v16 =	vadd.f32 v22, v45;
	v11 =	vadd.f32 v33, v11;
	s2 =	ssub.f32 s13, s14  }
0x160: {  	v46 =	vmul.f32 v22, v22;
	v13 =	vadd.f32 v61, v13  }
0x161: {  	v39 =	vmul.f32 v19, v19;
	v16 =	vadd.f32 v25, v16;
	v42 =	vmov s4;
	(xrf2) =	vadd.scan.msk.f32 $0xffff, v11;
	s2 =	sadd.f32 $9.999999740e-06, s2  }
0x162: {  	v44 =	vmul.f32 v18, v18;
	v48 =	vsub.f32 v15, v42;
	v17 =	vsub.f32 v17, v42;
	(xrf2) =	vadd.scan.msk.f32 $0xffff, v13  }
0x163: {  	v15 =	vld [tilespmem:s31+$0x8E20];
	v14 =	vsub.f32 v14, v42;
	v42 =	vsub.f32 v12, v42;
	v11 =	vmov s2  }
0x164: {  	v12 =	vld [tilespmem:s31+$0x8E40];
	v13 =	vadd.f32 v39, v44;
	v62 =	vshrl.u32 v11, $0x1;
	v11 =	vmul.f32 $5.000000000e-01, v11  }
0x165: {  	v63, _, _ =	vpop (xrf2);
	(xrf2) =	vadd.scan.msk.f32 $0xffff, v16;
	v16 =	vld [tilespmem:s31+$0x8E30];
	s13 =	spop (v2sf);
	v38 =	vsub.s32 $0x5F3759DF, v62  }
0x166: {  	v39 =	vadd.f32 v46, v13;
	v13 =	vld [tilespmem:s31+$0x8E10];
	s2 =	smul.f32 $1.562500000e-02, s13;
	v11 =	vmul.f32 v38, v11;
	s14 =	spop (v2sf)  }
0x167: {  	v41 =	vmul.f32 v25, v25;
	s3 =	smul.f32 $1.562500000e-02, s14  }
0x168: {  	v53 =	vmul.f32 v15, v15;
	v40, _, _ =	vpop (xrf2);
	(v2sf) =	vpush v63, $0xF;
	s13 =	smul.f32 s2, s2;
	v47 =	vmul.f32 v38, v11;
	v11 =	vld [tilespmem:s31+$0x8E00]  }
0x169: {  	v39 =	vadd.f32 v41, v39;
	v62 =	vmul.f32 v12, v12;
	(v2sf) =	vpush v40, $0xF  }
0x16a: {  	v54 =	vmul.f32 v16, v16;
	v60 =	vmov s2;
	s3 =	ssub.f32 s3, s13;
	v40 =	vsub.f32 $1.500000000e+00, v47  }
0x16b: {  	(xrf2) =	vadd.scan.msk.f32 $0xffff, v39;
	v43 =	vmul.f32 v13, v13;
	v61 =	vsub.f32 v23, v60;
	v37 =	vsub.f32 v37, v60;
	v49, _, _ =	vpop (xrf2)  }
0x16c: {  	v36 =	vsub.f32 v36, v60;
	s4 =	sadd.f32 $9.999999740e-06, s3;
	v50, _, _ =	vpop (xrf2);
	v38 =	vmul.f32 v38, v40;
	s13 =	spop (v2sf);
	(v2sf) =	vpush v49, $0xF  }
0x16d: {  	v35 =	vsub.f32 v35, v60;
	s14 =	spop (v2sf);
	(v2sf) =	vpush v50, $0xF;
	v52 =	vmul.f32 v11, v11  }
0x16e: {  	v51 =	vmov s4;
	v45 =	vadd.f32 v13, v11;
	v39 =	vmul.f32 v38, v48  }
0x16f: {  	v44 =	vshrl.u32 v51, $0x1;
	v40 =	vmul.f32 $5.000000000e-01, v51;
	v41 =	vadd.f32 v43, v52  }
0x170: {  	s3 =	smul.f32 $1.562500000e-02, s13;
	v46 =	vmul.f32 v38, v17;
	v47 =	vmul.f32 v38, v14;
	v45 =	vadd.f32 v15, v45  }
0x171: {  	v38 =	vmul.f32 v38, v42;
	v44 =	vsub.s32 $0x5F3759DF, v44;
	v41 =	vadd.f32 v53, v41  }
0x172: {  	v14 =	vld [tilespmem:s31+$0x8E50];
	v52 =	vmov s3;
	v40 =	vmul.f32 v44, v40;
	v45 =	vadd.f32 v16, v45  }
0x173: {  	v23 =	vld [tilespmem:s31+$0x8E70];
	s13 =	smul.f32 $1.562500000e-02, s14;
	v39 =	vmul.f32 v39, v3;
	v28 =	vsub.f32 v28, v52;
	v55 =	vadd.f32 v54, v41  }
0x174: {  	v57, _, _ =	vpop (xrf2);
	v17 =	vld [tilespmem:s31+$0x8E60];
	s14 =	smul.f32 s3, s3;
	v46 =	vmul.f32 v46, v4;
	v31 =	vsub.f32 v31, v52;
	v21 =	vsub.f32 v21, v52;
	(xrf2) =	vadd.scan.msk.f32 $0xffff, v45  }
0x175: {  	v26 =	vsub.f32 v26, v52;
	v52 =	vmul.f32 v47, v5;
	v59, _, _ =	vpop (xrf2);
	v40 =	vmul.f32 v44, v40;
	(xrf2) =	vadd.scan.msk.f32 $0xffff, v55  }
0x176: {  	v38 =	vmul.f32 v38, v6;
	s4 =	ssub.f32 s13, s14;
	v39 =	vadd.f32 v39, v7;
	v50 =	vadd.f32 v46, v8  }
0x177: {  	v46 =	vadd.f32 v52, v9;
	v48 =	vmul.f32 v14, v14;
	v40 =	vsub.f32 $1.500000000e+00, v40  }
0x178: {  	v53 =	vmul.f32 v23, v23;
	s4 =	sadd.f32 $9.999999740e-06, s4;
	s13 =	spop (v2sf);
	(v2sf) =	vpush v57, $0xF;
	v49 =	vadd.f32 v14, v12  }
0x179: {  	v63 =	vmul.f32 v17, v17;
	v40 =	vmul.f32 v44, v40;
	v44 =	vadd.f32 v48, v62  }
0x17a: {  	v56 =	vmov s4;
	s14 =	spop (v2sf);
	s4 =	smul.f32 $1.562500000e-02, s13;
	(v2sf) =	vpush v59, $0xF;
	v49 =	vadd.f32 v17, v49  }
0x17b: {  	v58 =	vshrl.u32 v56, $0x1;
	v41 =	vmul.f32 $5.000000000e-01, v56;
	s13 =	smul.f32 $1.562500000e-02, s14;
	v44 =	vadd.f32 v63, v44  }
0x17c: {  	v38 =	vadd.f32 v38, v10;
	v43 =	vsub.s32 $0x5F3759DF, v58;
	s14 =	smul.f32 s4, s4;
	v49 =	vadd.f32 v23, v49  }
0x17d: {  	v41 =	vmul.f32 v43, v41;
	v42 =	vmul.f32 v40, v61;
	v44 =	vadd.f32 v53, v44  }
0x17e: {  	v62 =	vmov s4;
	v37 =	vmul.f32 v40, v37;
	v36 =	vmul.f32 v40, v36;
	s2 =	ssub.f32 s13, s14;
	v55, _, _ =	vpop (xrf2);
	(xrf2) =	vadd.scan.msk.f32 $0xffff, v49  }
0x17f: {  	v35 =	vmul.f32 v40, v35;
	v27 =	vsub.f32 v27, v62;
	v29 =	vsub.f32 v29, v62;
	v56, _, _ =	vpop (xrf2);
	(xrf2) =	vadd.scan.msk.f32 $0xffff, v44  }
0x180: {  	v32 =	vsub.f32 v32, v62;
	v34 =	vsub.f32 v34, v62;
	v41 =	vmul.f32 v43, v41;
	s13 =	sadd.f32 $9.999999740e-06, s2;
	s2 =	spop (v2sf)  }
0x181: {  	v42 =	vmul.f32 v42, v3;
	v37 =	vmul.f32 v37, v4;
	s14 =	spop (v2sf);
	s2 =	smul.f32 $1.562500000e-02, s2;
	(v2sf) =	vpush v55, $0xF  }
0x182: {  	v36 =	vmul.f32 v36, v5;
	v41 =	vsub.f32 $1.500000000e+00, v41;
	s3 =	smul.f32 $1.562500000e-02, s14;
	(v2sf) =	vpush v56, $0xF  }
0x183: {  	v35 =	vmul.f32 v35, v6;
	v42 =	vadd.f32 v42, v7;
	v37 =	vadd.f32 v37, v8;
	s14 =	smul.f32 s2, s2  }
0x184: {  	v36 =	vadd.f32 v36, v9;
	v54 =	vmov s13;
	v41 =	vmul.f32 v43, v41  }
0x185: {  	v57 =	vshrl.u32 v54, $0x1;
	v43 =	vmul.f32 $5.000000000e-01, v54;
	v53 =	vmov s2;
	s3 =	ssub.f32 s3, s14  }
0x186: {  	v35 =	vadd.f32 v35, v10;
	v58 =	vsub.s32 $0x5F3759DF, v57;
	v20 =	vsub.f32 v20, v53  }
0x187: {  	v24 =	vsub.f32 v24, v53;
	v59 =	vmul.f32 v58, v43;
	v28 =	vmul.f32 v41, v28;
	s3 =	sadd.f32 $9.999999740e-06, s3  }
0x188: {  	v30 =	vsub.f32 v30, v53;
	v31 =	vmul.f32 v41, v31;
	v21 =	vmul.f32 v41, v21;
	s13 =	spop (v2sf);
	v63, _, _ =	vpop (xrf2)  }
0x189: {  	v26 =	vmul.f32 v41, v26;
	v60 =	vmov s3;
	s14 =	spop (v2sf);
	s3 =	smul.f32 $1.562500000e-02, s13;
	(v2sf) =	vpush v63, $0xF;
	v51, _, _ =	vpop (xrf2)  }
0x18a: {  	v40 =	vmul.f32 v58, v59;
	v28 =	vmul.f32 v28, v3;
	s13 =	smul.f32 $1.562500000e-02, s14;
	(v2sf) =	vpush v51, $0xF  }
0x18b: {  	v33 =	vsub.f32 v33, v53;
	v31 =	vmul.f32 v31, v4;
	v21 =	vmul.f32 v21, v5;
	s14 =	smul.f32 s3, s3  }
0x18c: {  	v26 =	vmul.f32 v26, v6;
	v40 =	vsub.f32 $1.500000000e+00, v40;
	v28 =	vadd.f32 v28, v7  }
0x18d: {  	v31 =	vadd.f32 v31, v8;
	v61 =	vshrl.u32 v60, $0x1;
	v43 =	vmul.f32 $5.000000000e-01, v60;
	s4 =	ssub.f32 s13, s14  }
0x18e: {  	v21 =	vadd.f32 v21, v9;
	v26 =	vadd.f32 v26, v10;
	v45 =	vsub.s32 $0x5F3759DF, v61  }
0x18f: {  	v40 =	vmul.f32 v58, v40;
	v57 =	vmov s3;
	v43 =	vmul.f32 v45, v43;
	s4 =	sadd.f32 $9.999999740e-06, s4  }
0x190: {  	v18 =	vsub.f32 v18, v57;
	v19 =	vsub.f32 v19, v57;
	s13 =	spop (v2sf)  }
0x191: {  	v27 =	vmul.f32 v40, v27;
	v43 =	vmul.f32 v45, v43;
	v54 =	vmov s4;
	s4 =	smul.f32 $1.562500000e-02, s13;
	s14 =	spop (v2sf)  }
0x192: {  	v22 =	vsub.f32 v22, v57;
	v29 =	vmul.f32 v40, v29;
	v32 =	vmul.f32 v40, v32;
	s13 =	smul.f32 $1.562500000e-02, s14  }
0x193: {  	v34 =	vmul.f32 v40, v34;
	v27 =	vmul.f32 v27, v3;
	v43 =	vsub.f32 $1.500000000e+00, v43;
	s14 =	smul.f32 s4, s4  }
0x194: {  	v25 =	vsub.f32 v25, v57;
	v29 =	vmul.f32 v29, v4;
	v32 =	vmul.f32 v32, v5  }
0x195: {  	v43 =	vmul.f32 v45, v43;
	v55 =	vshrl.u32 v54, $0x1;
	v45 =	vmul.f32 $5.000000000e-01, v54;
	s2 =	ssub.f32 s13, s14  }
0x196: {  	[tilespmem:s31+$0x8240] =	vst v42;
	v42 =	vmul.f32 v34, v6;
	v27 =	vadd.f32 v27, v7;
	v44 =	vsub.s32 $0x5F3759DF, v55  }
0x197: {  	[tilespmem:s31+$0x8200] =	vst v39;
	v29 =	vadd.f32 v29, v8;
	v45 =	vmul.f32 v44, v45;
	v20 =	vmul.f32 v43, v20;
	s2 =	sadd.f32 $9.999999740e-06, s2  }
0x198: {  	[tilespmem:s31+$0x8600] =	vst v28;
	v28 =	vadd.f32 v42, v10;
	v24 =	vmul.f32 v43, v24;
	v30 =	vmul.f32 v43, v30;
	s3 =	spop (v2sf)  }
0x199: {  	[tilespmem:s31+$0x8210] =	vst v50;
	v33 =	vmul.f32 v43, v33;
	v41 =	vmov s4;
	v58 =	vmov s2;
	s2 =	smul.f32 $1.562500000e-02, s3;
	s13 =	spop (v2sf)  }
0x19a: {  	[tilespmem:s31+$0x8220] =	vst v46;
	v45 =	vmul.f32 v44, v45;
	v11 =	vsub.f32 v11, v41;
	v13 =	vsub.f32 v13, v41;
	s3 =	smul.f32 $1.562500000e-02, s13  }
0x19b: {  	[tilespmem:s31+$0x8230] =	vst v38;
	v20 =	vmul.f32 v20, v3;
	v15 =	vsub.f32 v15, v41;
	v16 =	vsub.f32 v16, v41;
	s14 =	smul.f32 s2, s2  }
0x19c: {  	[tilespmem:s31+$0x8250] =	vst v37;
	v24 =	vmul.f32 v24, v4;
	v47 =	vmul.f32 v30, v5;
	v56 =	vsub.f32 $1.500000000e+00, v45  }
0x19d: {  	[tilespmem:s31+$0x8260] =	vst v36;
	v48 =	vmul.f32 v33, v6;
	v45 =	vadd.f32 v32, v9;
	v20 =	vadd.f32 v20, v7;
	s3 =	ssub.f32 s3, s14  }
0x19e: {  	[tilespmem:s31+$0x8270] =	vst v35;
	v40 =	vmul.f32 v44, v56;
	v59 =	vshrl.u32 v58, $0x1;
	v44 =	vmul.f32 $5.000000000e-01, v58  }
0x19f: {  	[tilespmem:s31+$0x8610] =	vst v31;
	v24 =	vadd.f32 v24, v8;
	v49 =	vadd.f32 v47, v9;
	v60 =	vsub.s32 $0x5F3759DF, v59;
	s3 =	sadd.f32 $9.999999740e-06, s3  }
0x1a0: {  	[tilespmem:s31+$0x8620] =	vst v21;
	v51 =	vadd.f32 v48, v10;
	v18 =	vmul.f32 v40, v18;
	v61 =	vmul.f32 v60, v44  }
0x1a1: {  	[tilespmem:s31+$0x8630] =	vst v26;
	v19 =	vmul.f32 v40, v19;
	v22 =	vmul.f32 v40, v22;
	v43 =	vmov s3  }
0x1a2: {  	[tilespmem:s31+$0x8640] =	vst v27;
	v62 =	vmul.f32 v60, v61;
	v44 =	vshrl.u32 v43, $0x1;
	v31 =	vmul.f32 $5.000000000e-01, v43  }
0x1a3: {  	[tilespmem:s31+$0x8650] =	vst v29;
	v25 =	vmul.f32 v40, v25;
	v18 =	vmul.f32 v18, v3;
	v21 =	vsub.s32 $0x5F3759DF, v44  }
0x1a4: {  	[tilespmem:s31+$0x8670] =	vst v28;
	v19 =	vmul.f32 v19, v4;
	v63 =	vsub.f32 $1.500000000e+00, v62;
	v46 =	vmul.f32 v21, v31  }
0x1a5: {  	[tilespmem:s31+$0x8660] =	vst v45;
	v22 =	vmul.f32 v22, v5;
	v53 =	vmov s2;
	v18 =	vadd.f32 v18, v7  }
0x1a6: {  	[tilespmem:s31+$0x8A00] =	vst v20;
	v19 =	vadd.f32 v19, v8;
	v40 =	vmul.f32 v60, v63;
	v27 =	vmul.f32 v21, v46  }
0x1a7: {  	[tilespmem:s31+$0x8A10] =	vst v24;
	v54 =	vmul.f32 v25, v6;
	v22 =	vadd.f32 v22, v9;
	v12 =	vsub.f32 v12, v53  }
0x1a8: {  	[tilespmem:s31+$0x8A20] =	vst v49;
	v14 =	vsub.f32 v14, v53;
	v11 =	vmul.f32 v40, v11;
	v50 =	vsub.f32 $1.500000000e+00, v27  }
0x1a9: {  	[tilespmem:s31+$0x8A30] =	vst v51;
	v17 =	vsub.f32 v17, v53;
	v13 =	vmul.f32 v40, v13;
	v15 =	vmul.f32 v40, v15  }
0x1aa: {  	v55 =	vsub.f32 v23, v53;
	[tilespmem:s31+$0x8A40] =	vst v18;
	v11 =	vmul.f32 v11, v3;
	v52 =	vmul.f32 v21, v50  }
0x1ab: {  	v56 =	vadd.f32 v54, v10;
	[tilespmem:s31+$0x8A50] =	vst v19;
	v16 =	vmul.f32 v40, v16;
	v13 =	vmul.f32 v13, v4  }
0x1ac: {  	[tilespmem:s31+$0x8A60] =	vst v22;
	v15 =	vmul.f32 v15, v5;
	v11 =	vadd.f32 v11, v7;
	v12 =	vmul.f32 v52, v12  }
0x1ad: {  	[tilespmem:s31+$0x8A70] =	vst v56;
	v16 =	vmul.f32 v16, v6;
	v13 =	vadd.f32 v13, v8;
	v14 =	vmul.f32 v52, v14  }
0x1ae: {  	[tilespmem:s31+$0x8E00] =	vst v11;
	v11 =	vadd.f32 v15, v9;
	v59 =	vmul.f32 v52, v55;
	v12 =	vmul.f32 v12, v3  }
0x1af: {  	v58 =	vadd.f32 v16, v10;
	[tilespmem:s31+$0x8E10] =	vst v13;
	v57 =	vmul.f32 v52, v17;
	v14 =	vmul.f32 v14, v4  }
0x1b0: {  	p0 =	sne.s32 s30, $0x7E00;
	[tilespmem:s31+$0x8E20] =	vst v11;
	v62 =	vmul.f32 v59, v6;
	v11 =	vadd.f32 v12, v7  }
.Ltmp3:
0x1b1: {  	[tilespmem:s31+$0x8E30] =	vst v58;
	v60 =	vmul.f32 v57, v5;
	v61 =	vadd.f32 v14, v8;
	(pc) =	sbr.rel @p0 .LBB2_5-.Ltmp3, $4  }
0x1b2: {  	v63 =	vadd.f32 v62, v10;
	[tilespmem:s31+$0x8E40] =	vst v11  }
0x1b3: {  	v11 =	vadd.f32 v60, v9;
	[tilespmem:s31+$0x8E50] =	vst v61  }
0x1b4: {  	[tilespmem:s31+$0x8E70] =	vst v63  }
0x1b5: {  	s29 =	sadd.s32 $0x80, s29;
	s30 =	sadd.s32 $0x200, s30;
	[tilespmem:s31+$0x8E60] =	vst v11  }
0x1b6: {  	s2 =	sadd.s32 s7, s28  }
0x1b7: {  	s3 =	rddreg [dreg:$0x4];
	p0 =	seq.s32 s25, $0x3;
	s2 =	sshll.u32 s2, $0x6  }
.Ltmp4:
0x1b8: {  	s2 =	sadd.s32 s3, s2;
	(pc) =	sbr.rel @p0 .LBB2_8-.Ltmp4, $4  }
0x1b9: {  	[hbm4b:s2+s6] =	stream.linear.scatter [tilespmem:s0], [sflag:$0x4], $0x8000, $0x38;
	[tilespmem:$0x10300] =	vst v63  }
0x1ba: {  	_ =	swait.ge [sflag:s24], $0x8000  }
0x1bb: {  	[sflag:s24] =	ssyncset.done $0x0  }
0x1bc: {  	[sflag:s24] =	ssyncadd.s32 $0xFFFF8000  }
0x1bd: {  	s2 =	sand.u32 $0x3FFFFF80, s26  }
0x1be: {  	v11 =	vld [tilespmem:s2+$0x80];
	_ =	sdelay $0x4  }
0x1bf: {  	v12 =	vshll.u32 v11, $0x2  }
0x1c0: {  	v11 =	vand.u32 $0x7, v11;
	v12 =	vand.u32 $0xFFFFFFE0, v12  }
0x1c1: {  	v11 =	vor.u32 v11, v12  }
0x1c2: {  	v12 =	vperm.xlane v11, v0;
	_ =	sdelay $0x1  }
0x1c3: {  	v12 =	vadd.s32 v1, v12;
	_ =	sdelay $0x1  }
0x1c4: {  	v11 =	vperm.xlane v11, v2;
	_ =	sdelay $0x1  }
0x1c5: {  	v11 =	vadd.s32 v1, v11  }
0x1c6: {  	[tilespmem:s15], [sflag:$0x1] =	stream.indirect_vreg.gather [hbm4b:s1+s6], $0x80, v12, vm0, $0xb8;
	[tilespmem:$0x10300] =	vst v63  }
0x1c7: {  	s3 =	simm.s32 $0xA00  }
0x1c8: {  	[tilespmem:s3], [sflag:$0x1] =	stream.indirect_vreg.gather [hbm4b:s9+s6], $0x80, v12, vm0, $0xb8;
	[tilespmem:$0x10300] =	vst v63  }
0x1c9: {  	s14 =	simm.s32 $0x1200  }
0x1ca: {  	[tilespmem:s14], [sflag:$0x1] =	stream.indirect_vreg.gather [hbm4b:s1+s6], $0x80, v11, vm0, $0xb8;
	[tilespmem:$0x10300] =	vst v63  }
0x1cb: {  	s26 =	simm.s32 $0x1A00  }
0x1cc: {  	[tilespmem:s26], [sflag:$0x1] =	stream.indirect_vreg.gather [hbm4b:s9+s6], $0x80, v11, vm0, $0xb8;
	[tilespmem:$0x10300] =	vst v63  }
0x1cd: {  	v11 =	vld [tilespmem:s2+$0x90];
	_ =	sdelay $0x4  }
0x1ce: {  	v61 =	vshll.u32 v11, $0x2  }
0x1cf: {  	v11 =	vand.u32 $0x7, v11;
	v12 =	vand.u32 $0xFFFFFFE0, v61  }
0x1d0: {  	v11 =	vor.u32 v11, v12  }
0x1d1: {  	v12 =	vperm.xlane v11, v0;
	_ =	sdelay $0x1  }
0x1d2: {  	v12 =	vadd.s32 v1, v12;
	_ =	sdelay $0x1  }
0x1d3: {  	v11 =	vperm.xlane v11, v2;
	_ =	sdelay $0x1  }
0x1d4: {  	s28 =	simm.s32 $0x2200;
	v11 =	vadd.s32 v1, v11  }
0x1d5: {  	[tilespmem:s28], [sflag:$0x1] =	stream.indirect_vreg.gather [hbm4b:s1+s6], $0x80, v12, vm0, $0xb8;
	[tilespmem:$0x10300] =	vst v63  }
0x1d6: {  	s29 =	simm.s32 $0x2A00  }
0x1d7: {  	[tilespmem:s29], [sflag:$0x1] =	stream.indirect_vreg.gather [hbm4b:s9+s6], $0x80, v12, vm0, $0xb8;
	[tilespmem:$0x10300] =	vst v63  }
0x1d8: {  	s30 =	simm.s32 $0x3200  }
0x1d9: {  	[tilespmem:s30], [sflag:$0x1] =	stream.indirect_vreg.gather [hbm4b:s1+s6], $0x80, v11, vm0, $0xb8;
	[tilespmem:$0x10300] =	vst v63  }
0x1da: {  	s31 =	simm.s32 $0x3A00  }
0x1db: {  	[tilespmem:s31], [sflag:$0x1] =	stream.indirect_vreg.gather [hbm4b:s9+s6], $0x80, v11, vm0, $0xb8;
	[tilespmem:$0x10300] =	vst v63  }
0x1dc: {  	v11 =	vld [tilespmem:s2+$0xA0];
	_ =	sdelay $0x4  }
0x1dd: {  	v62 =	vshll.u32 v11, $0x2  }
0x1de: {  	v11 =	vand.u32 $0x7, v11;
	v12 =	vand.u32 $0xFFFFFFE0, v62  }
0x1df: {  	v11 =	vor.u32 v11, v12  }
0x1e0: {  	v12 =	vperm.xlane v11, v0;
	_ =	sdelay $0x1  }
0x1e1: {  	v12 =	vadd.s32 v1, v12;
	_ =	sdelay $0x1  }
0x1e2: {  	v11 =	vperm.xlane v11, v2;
	_ =	sdelay $0x1  }
0x1e3: {  	s4 =	simm.s32 $0x4200;
	v11 =	vadd.s32 v1, v11  }
0x1e4: {  	[tilespmem:s4], [sflag:$0x1] =	stream.indirect_vreg.gather [hbm4b:s1+s6], $0x80, v12, vm0, $0xb8;
	[tilespmem:$0x10300] =	vst v63  }
0x1e5: {  	s13 =	simm.s32 $0x4A00  }
0x1e6: {  	[tilespmem:s13], [sflag:$0x1] =	stream.indirect_vreg.gather [hbm4b:s9+s6], $0x80, v12, vm0, $0xb8;
	[tilespmem:$0x10300] =	vst v63  }
0x1e7: {  	s14 =	simm.s32 $0x5200  }
0x1e8: {  	[tilespmem:s14], [sflag:$0x1] =	stream.indirect_vreg.gather [hbm4b:s1+s6], $0x80, v11, vm0, $0xb8;
	[tilespmem:$0x10300] =	vst v63  }
0x1e9: {  	s26 =	simm.s32 $0x5A00  }
0x1ea: {  	[tilespmem:s26], [sflag:$0x1] =	stream.indirect_vreg.gather [hbm4b:s9+s6], $0x80, v11, vm0, $0xb8;
	[tilespmem:$0x10300] =	vst v63  }
0x1eb: {  	v11 =	vld [tilespmem:s2+$0xB0];
	_ =	sdelay $0x4  }
0x1ec: {  	v63 =	vshll.u32 v11, $0x2  }
0x1ed: {  	v11 =	vand.u32 $0x7, v11;
	v12 =	vand.u32 $0xFFFFFFE0, v63  }
0x1ee: {  	v11 =	vor.u32 v11, v12  }
0x1ef: {  	v12 =	vperm.xlane v11, v0;
	_ =	sdelay $0x1  }
0x1f0: {  	v12 =	vadd.s32 v1, v12;
	_ =	sdelay $0x2  }
0x1f1: {  	v11 =	vperm.xlane v11, v2  }
0x1f2: {  	s28 =	simm.s32 $0x6200  }
0x1f3: {  	v11 =	vadd.s32 v1, v11;
	[tilespmem:s28], [sflag:$0x1] =	stream.indirect_vreg.gather [hbm4b:s1+s6], $0x80, v12, vm0, $0xb8;
	[tilespmem:$0x10300] =	vst v63  }
0x1f4: {  	s29 =	simm.s32 $0x6A00  }
0x1f5: {  	[tilespmem:s29], [sflag:$0x1] =	stream.indirect_vreg.gather [hbm4b:s9+s6], $0x80, v12, vm0, $0xb8;
	[tilespmem:$0x10300] =	vst v63  }
.Ltmp5:
0x1f6: {  	_ = 	snop;
	(pc) =	sbr.rel .LBB2_2-.Ltmp5, $4  }
0x1f7: {  	s30 =	simm.s32 $0x7200  }
0x1f8: {  	[tilespmem:s30], [sflag:$0x1] =	stream.indirect_vreg.gather [hbm4b:s1+s6], $0x80, v11, vm0, $0xb8;
	[tilespmem:$0x10300] =	vst v63  }
0x1f9: {  	s25 =	sadd.s32 $0x1, s25;
	s31 =	simm.s32 $0x7A00  }
0x1fa: {  	[tilespmem:s31], [sflag:$0x1] =	stream.indirect_vreg.gather [hbm4b:s9+s6], $0x80, v11, vm0, $0xb8;
	[tilespmem:$0x10300] =	vst v63  }
.LBB2_9:
0x1fb: {  	_ =	sfence.sel $0x180000  }
0x1fc: {  	[bflag:$0x0] =	sbarrier.arrive $0xFFFF  }
0x1fd: {  	_ =	strace $0x90000047  }
0x1fe: {  	s0 =	stileid.u32;
	[bflag:$0x2] =	sbarrier.arrive $0xFFFF  }
0x1ff: {  	p0 =	sne.s32 s0, $0x0;
	s0 =	rddreg [dreg:$0x5]  }
0x200: {  	s0 =	sadd.s32 @!p0 $0x100000, s0  }
0x201: {  	[sflag:s0] =	ssyncadd.tile.s32 @!p0 $0x1;
	_ =	shalt  }
.Lfunc_end2:
_tile_overlayer_lowered:
.L_overlay_start_2:
0x202: {  	(tag) =	ssettag $0x2  }
0x203: {  	s0 =	rddreg [dreg:$0x0];
	s2 =	stileid.u32  }
0x204: {  	s1 =	rddreg [dreg:$0x1];
	p0 =	sne.s32 s2, $0x0  }
0x205: {  	s3 =	rddreg [dreg:$0x2];
	[bflag:$0x3] =	sbarrier.arrive $0xFFFF;
	s2 =	simm.s32 @!p0 $0x1C05  }
0x206: {  	[timem:s3], [sflag:s2] =	dma.local @!p0 [hbm:s0], s1  }
0x207: {  	s0 =	simm.s32 @!p0 $0x5  }
0x208: {  	_ =	swait.ge @!p0 [sflag:s0], s1  }
0x209: {  	s1 =	ssub.s32 @!p0 $0x0, s1;
	[sflag:s0] =	ssyncset.done @!p0 $0x0  }
0x20a: {  	[sflag:s0] =	ssyncadd.s32 @!p0 s1  }
0x20b: {  	[bflag:$0x3] =	sbarrier.arrive $0xFFFF  }
0x20c: {  	_ =	shalt  }

</sc_bundles>
